<compile_context>
chip_gen: v7x
topology: tpu7x:2x2x1
jax: 0.10.2.dev20260603
libtpu: 0.0.44.dev20260713+nightly
codegen_flags: <defaults>
</compile_context>

<pallas_src>
import functools

import jax
import jax.numpy as jnp
from jax import lax
from jax.experimental import pallas as pl
from jax.experimental.pallas import tpu as pltpu
from jax.experimental.pallas import tpu_sc as plsc


def _make_sc_embed(D, B, NC, NS, L):
    NW = NC * NS
    TPW = B // NW
    HTPW = TPW // 2
    FIRE = 16

    mesh = plsc.VectorSubcoreMesh(core_axis_name="c", subcore_axis_name="s")

    @functools.partial(
        pl.kernel,
        mesh=mesh,
        out_type=jax.ShapeDtypeStruct((B, D), jnp.float32),
        scratch_types=[
            pltpu.VMEM((TPW,), jnp.int32),
            pltpu.VMEM((HTPW, D), jnp.float32),
            pltpu.VMEM((L,), jnp.float32),
            pltpu.SemaphoreType.DMA,
            pltpu.SemaphoreType.DMA,
        ],
    )
    def sc_embed(tok_hbm, scale_hbm, table_hbm, out_hbm,
                 idx_v, stage, scale_v, gsem, ssem):
        wid = lax.axis_index("s") * NC + lax.axis_index("c")
        pltpu.sync_copy(tok_hbm.at[wid], idx_v)
        pltpu.sync_copy(scale_hbm, scale_v)
        s = scale_v[...]

        for p in range(2):
            def fire_body(g, carry, p=p):
                idx16 = idx_v[pl.ds(p * HTPW + g * FIRE, FIRE)]
                for k in range(FIRE):
                    lg = g * FIRE + k
                    i_t = idx16[k]
                    pltpu.async_copy(
                        table_hbm.at[i_t], stage.at[lg], gsem)
                return carry

            lax.fori_loop(0, HTPW // FIRE, fire_body, 0)
            pltpu.make_async_copy(
                table_hbm.at[pl.ds(0, HTPW)], stage, gsem).wait()

            def scale_body(r, carry):
                for k in range(D // L):
                    sl = (r, pl.ds(k * L, L))
                    stage[sl] = stage[sl] * s
                return carry

            lax.fori_loop(0, HTPW, scale_body, 0)
            pltpu.async_copy(
                stage,
                out_hbm.at[pl.ds(wid * TPW + p * HTPW, HTPW)],
                ssem).wait()

    return sc_embed


def kernel(token_ids, embed_weight, scale):
    B0, B1 = token_ids.shape
    V, D = embed_weight.shape
    B = B0 * B1
    info = plsc.get_sparse_core_info()
    NC, NS, L = info.num_cores, info.num_subcores, info.num_lanes
    NW = NC * NS

    tok = token_ids.reshape(NW, B // NW).astype(jnp.int32)
    scale16 = jnp.broadcast_to(scale.astype(jnp.float32).reshape(1), (L,))
    out = _make_sc_embed(D, B, NC, NS, L)(tok, scale16, embed_weight)
    return out.reshape(B0, B1, D)

# --- scband reference (transcript-rebuilt; emitter-appended) ---
"""Pipeline reference for scband-value-embedding-29016799052343 (READ-ONLY COPY).

The authoritative reference and input builder live on the scoring server;
editing this copy changes nothing except your own understanding.
"""

import jax, jax.numpy as jnp
import numpy as np

VOCAB = 1000000
VE_DIM = 64
MODEL_DIM = 64  # ve_dim == model_dim -> proj is None


def setup_inputs(seed: int = 0) -> dict:
    key = jax.random.key(seed)
    k1, k2 = jax.random.split(key, 2)
    token_ids = jax.random.randint(k1, (4, 8192), 0, VOCAB, dtype=jnp.int64 if jax.config.jax_enable_x64 else jnp.int32)
    embed_weight = 0.01 * jax.random.normal(k2, (VOCAB, VE_DIM), dtype=jnp.float32)
    scale = jnp.array(0.1, dtype=jnp.float32)
    return {"token_ids": token_ids, "embed_weight": embed_weight, "scale": scale}


def reference(token_ids, embed_weight, scale):
    # h = self.embed(token_ids)
    h = jnp.take(embed_weight, token_ids, axis=0)
    # proj is None since ve_dim == model_dim
    # return h * self.scale.to(dtype=h.dtype)
    return h * scale.astype(h.dtype)

if __name__ == "__main__":
    import jax
    _d = setup_inputs()
    print(jax.jit(kernel)(*tuple(_d.values())))

</pallas_src>

<mosaic_0001>
#map = affine_map<(d0, d1) -> (0, 0)>
#map1 = affine_map<(d0, d1) -> (0)>
module attributes {stable_mosaic.version = 14 : i64} {
  func.func @sc_embed(%arg0: i32, %arg1: i32, %arg2: memref<32x1024xi32, #tpu.memory_space<hbm>>, %arg3: memref<16xf32, #tpu.memory_space<hbm>>, %arg4: memref<1000000x64xf32, #tpu.memory_space<hbm>>, %arg5: memref<32768x64xf32, #tpu.memory_space<hbm>>, %arg6: memref<1024xi32, #tpu.memory_space<vmem>>, %arg7: memref<512x64xf32, #tpu.memory_space<vmem>>, %arg8: memref<16xf32, #tpu.memory_space<vmem>>, %arg9: memref<!tpu.dma_semaphore, #tpu.memory_space<semaphore_mem>>, %arg10: memref<!tpu.dma_semaphore, #tpu.memory_space<semaphore_mem>>) attributes {dimension_semantics = [#tpu.dimension_semantics<core_parallel>, #tpu.dimension_semantics<subcore_parallel>], iteration_bounds = array<i64: 2, 16>, scalar_prefetch = 0 : i64, scratch_operands = 5 : i64, tpu.core_type = #tpu.core_type<sc_vector_subcore>, window_params = [{transform_indices = #map}, {transform_indices = #map1}, {transform_indices = #map}, {transform_indices = #map}]} {
    %mul3A = arith.constant 2 : i32
    %mul3A_0 = arith.muli %arg1, %mul3A : i32
    %add3A = arith.addi %mul3A_0, %arg0 : i32
    "tpu.region"() ({
      %run_scoped3A = tpu.sem_alloc : memref<!tpu.dma_semaphore, #tpu.memory_space<semaphore_mem>>
      %dma_start3A_60 = arith.constant 0 : i32
      %dma_start3A_61 = tpu.memref_slice %arg2[%add3A, %dma_start3A_60] : memref<32x1024xi32, #tpu.memory_space<hbm>> -> memref<1x1024xi32, #tpu.memory_space<hbm>>
      %dma_start3A_62 = tpu.memref_squeeze %dma_start3A_61 : memref<1x1024xi32, #tpu.memory_space<hbm>> -> memref<1024xi32, #tpu.memory_space<hbm>>
      %dma_start3A_63 = arith.constant 0 : i32
      %dma_start3A_64 = tpu.memref_slice %arg2[%add3A, %dma_start3A_63] : memref<32x1024xi32, #tpu.memory_space<hbm>> -> memref<1x1024xi32, #tpu.memory_space<hbm>>
      %dma_start3A_65 = tpu.memref_squeeze %dma_start3A_64 : memref<1x1024xi32, #tpu.memory_space<hbm>> -> memref<1024xi32, #tpu.memory_space<hbm>>
      tpu.enqueue_dma source(%dma_start3A_65 : memref<1024xi32, #tpu.memory_space<hbm>>) target(%arg6 : memref<1024xi32, #tpu.memory_space<vmem>>) target_semaphore(%run_scoped3A : memref<!tpu.dma_semaphore, #tpu.memory_space<semaphore_mem>>)
      %dma_wait3A_66 = arith.constant 0 : i32
      %dma_wait3A_67 = tpu.memref_slice %arg2[%add3A, %dma_wait3A_66] : memref<32x1024xi32, #tpu.memory_space<hbm>> -> memref<1x1024xi32, #tpu.memory_space<hbm>>
      %dma_wait3A_68 = tpu.memref_squeeze %dma_wait3A_67 : memref<1x1024xi32, #tpu.memory_space<hbm>> -> memref<1024xi32, #tpu.memory_space<hbm>>
      %dma_wait3A_69 = arith.constant 0 : i32
      %dma_wait3A_70 = tpu.memref_slice %arg2[%add3A, %dma_wait3A_69] : memref<32x1024xi32, #tpu.memory_space<hbm>> -> memref<1x1024xi32, #tpu.memory_space<hbm>>
      %dma_wait3A_71 = tpu.memref_squeeze %dma_wait3A_70 : memref<1x1024xi32, #tpu.memory_space<hbm>> -> memref<1024xi32, #tpu.memory_space<hbm>>
      tpu.wait_dma2 semaphore(%run_scoped3A : memref<!tpu.dma_semaphore, #tpu.memory_space<semaphore_mem>>) src(%dma_wait3A_71 : memref<1024xi32, #tpu.memory_space<hbm>>) dst(%arg6 : memref<1024xi32, #tpu.memory_space<vmem>>)
      tpu.yield
    }) : () -> ()
    "tpu.region"() ({
      %run_scoped3A = tpu.sem_alloc : memref<!tpu.dma_semaphore, #tpu.memory_space<semaphore_mem>>
      tpu.enqueue_dma source(%arg3 : memref<16xf32, #tpu.memory_space<hbm>>) target(%arg8 : memref<16xf32, #tpu.memory_space<vmem>>) target_semaphore(%run_scoped3A : memref<!tpu.dma_semaphore, #tpu.memory_space<semaphore_mem>>)
      tpu.wait_dma2 semaphore(%run_scoped3A : memref<!tpu.dma_semaphore, #tpu.memory_space<semaphore_mem>>) src(%arg3 : memref<16xf32, #tpu.memory_space<hbm>>) dst(%arg8 : memref<16xf32, #tpu.memory_space<vmem>>)
      tpu.yield
    }) : () -> ()
    %get3A = arith.constant 0 : index
    %get3A_1 = tpu.vector_load %arg8[%get3A] {strides = array<i32>} : memref<16xf32, #tpu.memory_space<vmem>>, vector<16xf32>,
    %get3A_2 = vector.shape_cast %get3A_1 : vector<16xf32> to vector<16xf32>
    %scan3A = arith.constant 0 : i32
    %scan3A_3 = arith.constant 0 : i32
    %scan3A_4 = arith.constant 32 : i32
    %scan3A_5 = arith.addi %scan3A_3, %scan3A_4 : i32
    %scan3A_6 = arith.constant 1 : i32
    scf.for %scan3A_60 = %scan3A_3 to %scan3A_5 step %scan3A_6  : i32 {
      %mul3A_61 = arith.constant 16 : i32
      %mul3A_62 = arith.muli %scan3A_60, %mul3A_61 : i32
      %add3A_63 = arith.constant 0 : i32
      %add3A_64 = arith.addi %add3A_63, %mul3A_62 : i32
      %get3A_65 = arith.index_cast %add3A_64 : i32 to index
      %get3A_66 = tpu.vector_load %arg6[%get3A_65] {strides = array<i32>} : memref<1024xi32, #tpu.memory_space<vmem>>, vector<16xi32>,
      %get3A_67 = vector.shape_cast %get3A_66 : vector<16xi32> to vector<16xi32>
      %mul3A_68 = arith.constant 16 : i32
      %mul3A_69 = arith.muli %scan3A_60, %mul3A_68 : i32
      %add3A_70 = arith.constant 0 : i32
      %add3A_71 = arith.addi %mul3A_69, %add3A_70 : i32
      %slice3A = vector.extract_strided_slice %get3A_67 {offsets = [0], sizes = [1], strides = [1]} : vector<16xi32> to vector<1xi32>
      %squeeze3A = vector.extract %slice3A[0] : i32 from vector<1xi32>
      %dma_start3A_72 = arith.constant 0 : i32
      %dma_start3A_73 = tpu.memref_slice %arg7[%add3A_71, %dma_start3A_72] : memref<512x64xf32, #tpu.memory_space<vmem>> -> memref<1x64xf32, #tpu.memory_space<vmem>>
      %dma_start3A_74 = tpu.memref_squeeze %dma_start3A_73 : memref<1x64xf32, #tpu.memory_space<vmem>> -> memref<64xf32, #tpu.memory_space<vmem>>
      %dma_start3A_75 = arith.constant 0 : i32
      %dma_start3A_76 = tpu.memref_slice %arg4[%squeeze3A, %dma_start3A_75] : memref<1000000x64xf32, #tpu.memory_space<hbm>> -> memref<1x64xf32, #tpu.memory_space<hbm>>
      %dma_start3A_77 = tpu.memref_squeeze %dma_start3A_76 : memref<1x64xf32, #tpu.memory_space<hbm>> -> memref<64xf32, #tpu.memory_space<hbm>>
      %dma_start3A_78 = arith.constant 0 : i32
      %dma_start3A_79 = tpu.memref_slice %arg7[%add3A_71, %dma_start3A_78] : memref<512x64xf32, #tpu.memory_space<vmem>> -> memref<1x64xf32, #tpu.memory_space<vmem>>
      %dma_start3A_80 = tpu.memref_squeeze %dma_start3A_79 : memref<1x64xf32, #tpu.memory_space<vmem>> -> memref<64xf32, #tpu.memory_space<vmem>>
      %dma_start3A_81 = arith.constant 0 : i32
      %dma_start3A_82 = tpu.memref_slice %arg4[%squeeze3A, %dma_start3A_81] : memref<1000000x64xf32, #tpu.memory_space<hbm>> -> memref<1x64xf32, #tpu.memory_space<hbm>>
      %dma_start3A_83 = tpu.memref_squeeze %dma_start3A_82 : memref<1x64xf32, #tpu.memory_space<hbm>> -> memref<64xf32, #tpu.memory_space<hbm>>
      tpu.enqueue_dma source(%dma_start3A_83 : memref<64xf32, #tpu.memory_space<hbm>>) target(%dma_start3A_80 : memref<64xf32, #tpu.memory_space<vmem>>) target_semaphore(%arg9 : memref<!tpu.dma_semaphore, #tpu.memory_space<semaphore_mem>>)
      %mul3A_84 = arith.constant 16 : i32
      %mul3A_85 = arith.muli %scan3A_60, %mul3A_84 : i32
      %add3A_86 = arith.constant 1 : i32
      %add3A_87 = arith.addi %mul3A_85, %add3A_86 : i32
      %slice3A_88 = vector.extract_strided_slice %get3A_67 {offsets = [1], sizes = [1], strides = [1]} : vector<16xi32> to vector<1xi32>
      %squeeze3A_89 = vector.extract %slice3A_88[0] : i32 from vector<1xi32>
      %dma_start3A_90 = arith.constant 0 : i32
      %dma_start3A_91 = tpu.memref_slice %arg7[%add3A_87, %dma_start3A_90] : memref<512x64xf32, #tpu.memory_space<vmem>> -> memref<1x64xf32, #tpu.memory_space<vmem>>
      %dma_start3A_92 = tpu.memref_squeeze %dma_start3A_91 : memref<1x64xf32, #tpu.memory_space<vmem>> -> memref<64xf32, #tpu.memory_space<vmem>>
      %dma_start3A_93 = arith.constant 0 : i32
      %dma_start3A_94 = tpu.memref_slice %arg4[%squeeze3A_89, %dma_start3A_93] : memref<1000000x64xf32, #tpu.memory_space<hbm>> -> memref<1x64xf32, #tpu.memory_space<hbm>>
      %dma_start3A_95 = tpu.memref_squeeze %dma_start3A_94 : memref<1x64xf32, #tpu.memory_space<hbm>> -> memref<64xf32, #tpu.memory_space<hbm>>
      %dma_start3A_96 = arith.constant 0 : i32
      %dma_start3A_97 = tpu.memref_slice %arg7[%add3A_87, %dma_start3A_96] : memref<512x64xf32, #tpu.memory_space<vmem>> -> memref<1x64xf32, #tpu.memory_space<vmem>>
      %dma_start3A_98 = tpu.memref_squeeze %dma_start3A_97 : memref<1x64xf32, #tpu.memory_space<vmem>> -> memref<64xf32, #tpu.memory_space<vmem>>
      %dma_start3A_99 = arith.constant 0 : i32
      %dma_start3A_100 = tpu.memref_slice %arg4[%squeeze3A_89, %dma_start3A_99] : memref<1000000x64xf32, #tpu.memory_space<hbm>> -> memref<1x64xf32, #tpu.memory_space<hbm>>
      %dma_start3A_101 = tpu.memref_squeeze %dma_start3A_100 : memref<1x64xf32, #tpu.memory_space<hbm>> -> memref<64xf32, #tpu.memory_space<hbm>>
      tpu.enqueue_dma source(%dma_start3A_101 : memref<64xf32, #tpu.memory_space<hbm>>) target(%dma_start3A_98 : memref<64xf32, #tpu.memory_space<vmem>>) target_semaphore(%arg9 : memref<!tpu.dma_semaphore, #tpu.memory_space<semaphore_mem>>)
      %mul3A_102 = arith.constant 16 : i32
      %mul3A_103 = arith.muli %scan3A_60, %mul3A_102 : i32
      %add3A_104 = arith.constant 2 : i32
      %add3A_105 = arith.addi %mul3A_103, %add3A_104 : i32
      %slice3A_106 = vector.extract_strided_slice %get3A_67 {offsets = [2], sizes = [1], strides = [1]} : vector<16xi32> to vector<1xi32>
      %squeeze3A_107 = vector.extract %slice3A_106[0] : i32 from vector<1xi32>
      %dma_start3A_108 = arith.constant 0 : i32
      %dma_start3A_109 = tpu.memref_slice %arg7[%add3A_105, %dma_start3A_108] : memref<512x64xf32, #tpu.memory_space<vmem>> -> memref<1x64xf32, #tpu.memory_space<vmem>>
      %dma_start3A_110 = tpu.memref_squeeze %dma_start3A_109 : memref<1x64xf32, #tpu.memory_space<vmem>> -> memref<64xf32, #tpu.memory_space<vmem>>
      %dma_start3A_111 = arith.constant 0 : i32
      %dma_start3A_112 = tpu.memref_slice %arg4[%squeeze3A_107, %dma_start3A_111] : memref<1000000x64xf32, #tpu.memory_space<hbm>> -> memref<1x64xf32, #tpu.memory_space<hbm>>
      %dma_start3A_113 = tpu.memref_squeeze %dma_start3A_112 : memref<1x64xf32, #tpu.memory_space<hbm>> -> memref<64xf32, #tpu.memory_space<hbm>>
      %dma_start3A_114 = arith.constant 0 : i32
      %dma_start3A_115 = tpu.memref_slice %arg7[%add3A_105, %dma_start3A_114] : memref<512x64xf32, #tpu.memory_space<vmem>> -> memref<1x64xf32, #tpu.memory_space<vmem>>
      %dma_start3A_116 = tpu.memref_squeeze %dma_start3A_115 : memref<1x64xf32, #tpu.memory_space<vmem>> -> memref<64xf32, #tpu.memory_space<vmem>>
      %dma_start3A_117 = arith.constant 0 : i32
      %dma_start3A_118 = tpu.memref_slice %arg4[%squeeze3A_107, %dma_start3A_117] : memref<1000000x64xf32, #tpu.memory_space<hbm>> -> memref<1x64xf32, #tpu.memory_space<hbm>>
      %dma_start3A_119 = tpu.memref_squeeze %dma_start3A_118 : memref<1x64xf32, #tpu.memory_space<hbm>> -> memref<64xf32, #tpu.memory_space<hbm>>
      tpu.enqueue_dma source(%dma_start3A_119 : memref<64xf32, #tpu.memory_space<hbm>>) target(%dma_start3A_116 : memref<64xf32, #tpu.memory_space<vmem>>) target_semaphore(%arg9 : memref<!tpu.dma_semaphore, #tpu.memory_space<semaphore_mem>>)
      %mul3A_120 = arith.constant 16 : i32
      %mul3A_121 = arith.muli %scan3A_60, %mul3A_120 : i32
      %add3A_122 = arith.constant 3 : i32
      %add3A_123 = arith.addi %mul3A_121, %add3A_122 : i32
      %slice3A_124 = vector.extract_strided_slice %get3A_67 {offsets = [3], sizes = [1], strides = [1]} : vector<16xi32> to vector<1xi32>
      %squeeze3A_125 = vector.extract %slice3A_124[0] : i32 from vector<1xi32>
      %dma_start3A_126 = arith.constant 0 : i32
      %dma_start3A_127 = tpu.memref_slice %arg7[%add3A_123, %dma_start3A_126] : memref<512x64xf32, #tpu.memory_space<vmem>> -> memref<1x64xf32, #tpu.memory_space<vmem>>
      %dma_start3A_128 = tpu.memref_squeeze %dma_start3A_127 : memref<1x64xf32, #tpu.memory_space<vmem>> -> memref<64xf32, #tpu.memory_space<vmem>>
      %dma_start3A_129 = arith.constant 0 : i32
      %dma_start3A_130 = tpu.memref_slice %arg4[%squeeze3A_125, %dma_start3A_129] : memref<1000000x64xf32, #tpu.memory_space<hbm>> -> memref<1x64xf32, #tpu.memory_space<hbm>>
      %dma_start3A_131 = tpu.memref_squeeze %dma_start3A_130 : memref<1x64xf32, #tpu.memory_space<hbm>> -> memref<64xf32, #tpu.memory_space<hbm>>
      %dma_start3A_132 = arith.constant 0 : i32
      %dma_start3A_133 = tpu.memref_slice %arg7[%add3A_123, %dma_start3A_132] : memref<512x64xf32, #tpu.memory_space<vmem>> -> memref<1x64xf32, #tpu.memory_space<vmem>>
      %dma_start3A_134 = tpu.memref_squeeze %dma_start3A_133 : memref<1x64xf32, #tpu.memory_space<vmem>> -> memref<64xf32, #tpu.memory_space<vmem>>
      %dma_start3A_135 = arith.constant 0 : i32
      %dma_start3A_136 = tpu.memref_slice %arg4[%squeeze3A_125, %dma_start3A_135] : memref<1000000x64xf32, #tpu.memory_space<hbm>> -> memref<1x64xf32, #tpu.memory_space<hbm>>
      %dma_start3A_137 = tpu.memref_squeeze %dma_start3A_136 : memref<1x64xf32, #tpu.memory_space<hbm>> -> memref<64xf32, #tpu.memory_space<hbm>>
      tpu.enqueue_dma source(%dma_start3A_137 : memref<64xf32, #tpu.memory_space<hbm>>) target(%dma_start3A_134 : memref<64xf32, #tpu.memory_space<vmem>>) target_semaphore(%arg9 : memref<!tpu.dma_semaphore, #tpu.memory_space<semaphore_mem>>)
      %mul3A_138 = arith.constant 16 : i32
      %mul3A_139 = arith.muli %scan3A_60, %mul3A_138 : i32
      %add3A_140 = arith.constant 4 : i32
      %add3A_141 = arith.addi %mul3A_139, %add3A_140 : i32
      %slice3A_142 = vector.extract_strided_slice %get3A_67 {offsets = [4], sizes = [1], strides = [1]} : vector<16xi32> to vector<1xi32>
      %squeeze3A_143 = vector.extract %slice3A_142[0] : i32 from vector<1xi32>
      %dma_start3A_144 = arith.constant 0 : i32
      %dma_start3A_145 = tpu.memref_slice %arg7[%add3A_141, %dma_start3A_144] : memref<512x64xf32, #tpu.memory_space<vmem>> -> memref<1x64xf32, #tpu.memory_space<vmem>>
      %dma_start3A_146 = tpu.memref_squeeze %dma_start3A_145 : memref<1x64xf32, #tpu.memory_space<vmem>> -> memref<64xf32, #tpu.memory_space<vmem>>
      %dma_start3A_147 = arith.constant 0 : i32
      %dma_start3A_148 = tpu.memref_slice %arg4[%squeeze3A_143, %dma_start3A_147] : memref<1000000x64xf32, #tpu.memory_space<hbm>> -> memref<1x64xf32, #tpu.memory_space<hbm>>
      %dma_start3A_149 = tpu.memref_squeeze %dma_start3A_148 : memref<1x64xf32, #tpu.memory_space<hbm>> -> memref<64xf32, #tpu.memory_space<hbm>>
      %dma_start3A_150 = arith.constant 0 : i32
      %dma_start3A_151 = tpu.memref_slice %arg7[%add3A_141, %dma_start3A_150] : memref<512x64xf32, #tpu.memory_space<vmem>> -> memref<1x64xf32, #tpu.memory_space<vmem>>
      %dma_start3A_152 = tpu.memref_squeeze %dma_start3A_151 : memref<1x64xf32, #tpu.memory_space<vmem>> -> memref<64xf32, #tpu.memory_space<vmem>>
      %dma_start3A_153 = arith.constant 0 : i32
      %dma_start3A_154 = tpu.memref_slice %arg4[%squeeze3A_143, %dma_start3A_153] : memref<1000000x64xf32, #tpu.memory_space<hbm>> -> memref<1x64xf32, #tpu.memory_space<hbm>>
      %dma_start3A_155 = tpu.memref_squeeze %dma_start3A_154 : memref<1x64xf32, #tpu.memory_space<hbm>> -> memref<64xf32, #tpu.memory_space<hbm>>
      tpu.enqueue_dma source(%dma_start3A_155 : memref<64xf32, #tpu.memory_space<hbm>>) target(%dma_start3A_152 : memref<64xf32, #tpu.memory_space<vmem>>) target_semaphore(%arg9 : memref<!tpu.dma_semaphore, #tpu.memory_space<semaphore_mem>>)
      %mul3A_156 = arith.constant 16 : i32
      %mul3A_157 = arith.muli %scan3A_60, %mul3A_156 : i32
      %add3A_158 = arith.constant 5 : i32
      %add3A_159 = arith.addi %mul3A_157, %add3A_158 : i32
      %slice3A_160 = vector.extract_strided_slice %get3A_67 {offsets = [5], sizes = [1], strides = [1]} : vector<16xi32> to vector<1xi32>
      %squeeze3A_161 = vector.extract %slice3A_160[0] : i32 from vector<1xi32>
      %dma_start3A_162 = arith.constant 0 : i32
      %dma_start3A_163 = tpu.memref_slice %arg7[%add3A_159, %dma_start3A_162] : memref<512x64xf32, #tpu.memory_space<vmem>> -> memref<1x64xf32, #tpu.memory_space<vmem>>
      %dma_start3A_164 = tpu.memref_squeeze %dma_start3A_163 : memref<1x64xf32, #tpu.memory_space<vmem>> -> memref<64xf32, #tpu.memory_space<vmem>>
      %dma_start3A_165 = arith.constant 0 : i32
      %dma_start3A_166 = tpu.memref_slice %arg4[%squeeze3A_161, %dma_start3A_165] : memref<1000000x64xf32, #tpu.memory_space<hbm>> -> memref<1x64xf32, #tpu.memory_space<hbm>>
      %dma_start3A_167 = tpu.memref_squeeze %dma_start3A_166 : memref<1x64xf32, #tpu.memory_space<hbm>> -> memref<64xf32, #tpu.memory_space<hbm>>
      %dma_start3A_168 = arith.constant 0 : i32
      %dma_start3A_169 = tpu.memref_slice %arg7[%add3A_159, %dma_start3A_168] : memref<512x64xf32, #tpu.memory_space<vmem>> -> memref<1x64xf32, #tpu.memory_space<vmem>>
      %dma_start3A_170 = tpu.memref_squeeze %dma_start3A_169 : memref<1x64xf32, #tpu.memory_space<vmem>> -> memref<64xf32, #tpu.memory_space<vmem>>
      %dma_start3A_171 = arith.constant 0 : i32
      %dma_start3A_172 = tpu.memref_slice %arg4[%squeeze3A_161, %dma_start3A_171] : memref<1000000x64xf32, #tpu.memory_space<hbm>> -> memref<1x64xf32, #tpu.memory_space<hbm>>
      %dma_start3A_173 = tpu.memref_squeeze %dma_start3A_172 : memref<1x64xf32, #tpu.memory_space<hbm>> -> memref<64xf32, #tpu.memory_space<hbm>>
      tpu.enqueue_dma source(%dma_start3A_173 : memref<64xf32, #tpu.memory_space<hbm>>) target(%dma_start3A_170 : memref<64xf32, #tpu.memory_space<vmem>>) target_semaphore(%arg9 : memref<!tpu.dma_semaphore, #tpu.memory_space<semaphore_mem>>)
      %mul3A_174 = arith.constant 16 : i32
      %mul3A_175 = arith.muli %scan3A_60, %mul3A_174 : i32
      %add3A_176 = arith.constant 6 : i32
      %add3A_177 = arith.addi %mul3A_175, %add3A_176 : i32
      %slice3A_178 = vector.extract_strided_slice %get3A_67 {offsets = [6], sizes = [1], strides = [1]} : vector<16xi32> to vector<1xi32>
      %squeeze3A_179 = vector.extract %slice3A_178[0] : i32 from vector<1xi32>
      %dma_start3A_180 = arith.constant 0 : i32
      %dma_start3A_181 = tpu.memref_slice %arg7[%add3A_177, %dma_start3A_180] : memref<512x64xf32, #tpu.memory_space<vmem>> -> memref<1x64xf32, #tpu.memory_space<vmem>>
      %dma_start3A_182 = tpu.memref_squeeze %dma_start3A_181 : memref<1x64xf32, #tpu.memory_space<vmem>> -> memref<64xf32, #tpu.memory_space<vmem>>
      %dma_start3A_183 = arith.constant 0 : i32
      %dma_start3A_184 = tpu.memref_slice %arg4[%squeeze3A_179, %dma_start3A_183] : memref<1000000x64xf32, #tpu.memory_space<hbm>> -> memref<1x64xf32, #tpu.memory_space<hbm>>
      %dma_start3A_185 = tpu.memref_squeeze %dma_start3A_184 : memref<1x64xf32, #tpu.memory_space<hbm>> -> memref<64xf32, #tpu.memory_space<hbm>>
      %dma_start3A_186 = arith.constant 0 : i32
      %dma_start3A_187 = tpu.memref_slice %arg7[%add3A_177, %dma_start3A_186] : memref<512x64xf32, #tpu.memory_space<vmem>> -> memref<1x64xf32, #tpu.memory_space<vmem>>
      %dma_start3A_188 = tpu.memref_squeeze %dma_start3A_187 : memref<1x64xf32, #tpu.memory_space<vmem>> -> memref<64xf32, #tpu.memory_space<vmem>>
      %dma_start3A_189 = arith.constant 0 : i32
      %dma_start3A_190 = tpu.memref_slice %arg4[%squeeze3A_179, %dma_start3A_189] : memref<1000000x64xf32, #tpu.memory_space<hbm>> -> memref<1x64xf32, #tpu.memory_space<hbm>>
      %dma_start3A_191 = tpu.memref_squeeze %dma_start3A_190 : memref<1x64xf32, #tpu.memory_space<hbm>> -> memref<64xf32, #tpu.memory_space<hbm>>
      tpu.enqueue_dma source(%dma_start3A_191 : memref<64xf32, #tpu.memory_space<hbm>>) target(%dma_start3A_188 : memref<64xf32, #tpu.memory_space<vmem>>) target_semaphore(%arg9 : memref<!tpu.dma_semaphore, #tpu.memory_space<semaphore_mem>>)
      %mul3A_192 = arith.constant 16 : i32
      %mul3A_193 = arith.muli %scan3A_60, %mul3A_192 : i32
      %add3A_194 = arith.constant 7 : i32
      %add3A_195 = arith.addi %mul3A_193, %add3A_194 : i32
      %slice3A_196 = vector.extract_strided_slice %get3A_67 {offsets = [7], sizes = [1], strides = [1]} : vector<16xi32> to vector<1xi32>
      %squeeze3A_197 = vector.extract %slice3A_196[0] : i32 from vector<1xi32>
      %dma_start3A_198 = arith.constant 0 : i32
      %dma_start3A_199 = tpu.memref_slice %arg7[%add3A_195, %dma_start3A_198] : memref<512x64xf32, #tpu.memory_space<vmem>> -> memref<1x64xf32, #tpu.memory_space<vmem>>
      %dma_start3A_200 = tpu.memref_squeeze %dma_start3A_199 : memref<1x64xf32, #tpu.memory_space<vmem>> -> memref<64xf32, #tpu.memory_space<vmem>>
      %dma_start3A_201 = arith.constant 0 : i32
      %dma_start3A_202 = tpu.memref_slice %arg4[%squeeze3A_197, %dma_start3A_201] : memref<1000000x64xf32, #tpu.memory_space<hbm>> -> memref<1x64xf32, #tpu.memory_space<hbm>>
      %dma_start3A_203 = tpu.memref_squeeze %dma_start3A_202 : memref<1x64xf32, #tpu.memory_space<hbm>> -> memref<64xf32, #tpu.memory_space<hbm>>
      %dma_start3A_204 = arith.constant 0 : i32
      %dma_start3A_205 = tpu.memref_slice %arg7[%add3A_195, %dma_start3A_204] : memref<512x64xf32, #tpu.memory_space<vmem>> -> memref<1x64xf32, #tpu.memory_space<vmem>>
      %dma_start3A_206 = tpu.memref_squeeze %dma_start3A_205 : memref<1x64xf32, #tpu.memory_space<vmem>> -> memref<64xf32, #tpu.memory_space<vmem>>
      %dma_start3A_207 = arith.constant 0 : i32
      %dma_start3A_208 = tpu.memref_slice %arg4[%squeeze3A_197, %dma_start3A_207] : memref<1000000x64xf32, #tpu.memory_space<hbm>> -> memref<1x64xf32, #tpu.memory_space<hbm>>
      %dma_start3A_209 = tpu.memref_squeeze %dma_start3A_208 : memref<1x64xf32, #tpu.memory_space<hbm>> -> memref<64xf32, #tpu.memory_space<hbm>>
      tpu.enqueue_dma source(%dma_start3A_209 : memref<64xf32, #tpu.memory_space<hbm>>) target(%dma_start3A_206 : memref<64xf32, #tpu.memory_space<vmem>>) target_semaphore(%arg9 : memref<!tpu.dma_semaphore, #tpu.memory_space<semaphore_mem>>)
      %mul3A_210 = arith.constant 16 : i32
      %mul3A_211 = arith.muli %scan3A_60, %mul3A_210 : i32
      %add3A_212 = arith.constant 8 : i32
      %add3A_213 = arith.addi %mul3A_211, %add3A_212 : i32
      %slice3A_214 = vector.extract_strided_slice %get3A_67 {offsets = [8], sizes = [1], strides = [1]} : vector<16xi32> to vector<1xi32>
      %squeeze3A_215 = vector.extract %slice3A_214[0] : i32 from vector<1xi32>
      %dma_start3A_216 = arith.constant 0 : i32
      %dma_start3A_217 = tpu.memref_slice %arg7[%add3A_213, %dma_start3A_216] : memref<512x64xf32, #tpu.memory_space<vmem>> -> memref<1x64xf32, #tpu.memory_space<vmem>>
      %dma_start3A_218 = tpu.memref_squeeze %dma_start3A_217 : memref<1x64xf32, #tpu.memory_space<vmem>> -> memref<64xf32, #tpu.memory_space<vmem>>
      %dma_start3A_219 = arith.constant 0 : i32
      %dma_start3A_220 = tpu.memref_slice %arg4[%squeeze3A_215, %dma_start3A_219] : memref<1000000x64xf32, #tpu.memory_space<hbm>> -> memref<1x64xf32, #tpu.memory_space<hbm>>
      %dma_start3A_221 = tpu.memref_squeeze %dma_start3A_220 : memref<1x64xf32, #tpu.memory_space<hbm>> -> memref<64xf32, #tpu.memory_space<hbm>>
      %dma_start3A_222 = arith.constant 0 : i32
      %dma_start3A_223 = tpu.memref_slice %arg7[%add3A_213, %dma_start3A_222] : memref<512x64xf32, #tpu.memory_space<vmem>> -> memref<1x64xf32, #tpu.memory_space<vmem>>
      %dma_start3A_224 = tpu.memref_squeeze %dma_start3A_223 : memref<1x64xf32, #tpu.memory_space<vmem>> -> memref<64xf32, #tpu.memory_space<vmem>>
      %dma_start3A_225 = arith.constant 0 : i32
      %dma_start3A_226 = tpu.memref_slice %arg4[%squeeze3A_215, %dma_start3A_225] : memref<1000000x64xf32, #tpu.memory_space<hbm>> -> memref<1x64xf32, #tpu.memory_space<hbm>>
      %dma_start3A_227 = tpu.memref_squeeze %dma_start3A_226 : memref<1x64xf32, #tpu.memory_space<hbm>> -> memref<64xf32, #tpu.memory_space<hbm>>
      tpu.enqueue_dma source(%dma_start3A_227 : memref<64xf32, #tpu.memory_space<hbm>>) target(%dma_start3A_224 : memref<64xf32, #tpu.memory_space<vmem>>) target_semaphore(%arg9 : memref<!tpu.dma_semaphore, #tpu.memory_space<semaphore_mem>>)
      %mul3A_228 = arith.constant 16 : i32
      %mul3A_229 = arith.muli %scan3A_60, %mul3A_228 : i32
      %add3A_230 = arith.constant 9 : i32
      %add3A_231 = arith.addi %mul3A_229, %add3A_230 : i32
      %slice3A_232 = vector.extract_strided_slice %get3A_67 {offsets = [9], sizes = [1], strides = [1]} : vector<16xi32> to vector<1xi32>
      %squeeze3A_233 = vector.extract %slice3A_232[0] : i32 from vector<1xi32>
      %dma_start3A_234 = arith.constant 0 : i32
      %dma_start3A_235 = tpu.memref_slice %arg7[%add3A_231, %dma_start3A_234] : memref<512x64xf32, #tpu.memory_space<vmem>> -> memref<1x64xf32, #tpu.memory_space<vmem>>
      %dma_start3A_236 = tpu.memref_squeeze %dma_start3A_235 : memref<1x64xf32, #tpu.memory_space<vmem>> -> memref<64xf32, #tpu.memory_space<vmem>>
      %dma_start3A_237 = arith.constant 0 : i32
      %dma_start3A_238 = tpu.memref_slice %arg4[%squeeze3A_233, %dma_start3A_237] : memref<1000000x64xf32, #tpu.memory_space<hbm>> -> memref<1x64xf32, #tpu.memory_space<hbm>>
      %dma_start3A_239 = tpu.memref_squeeze %dma_start3A_238 : memref<1x64xf32, #tpu.memory_space<hbm>> -> memref<64xf32, #tpu.memory_space<hbm>>
      %dma_start3A_240 = arith.constant 0 : i32
      %dma_start3A_241 = tpu.memref_slice %arg7[%add3A_231, %dma_start3A_240] : memref<512x64xf32, #tpu.memory_space<vmem>> -> memref<1x64xf32, #tpu.memory_space<vmem>>
      %dma_start3A_242 = tpu.memref_squeeze %dma_start3A_241 : memref<1x64xf32, #tpu.memory_space<vmem>> -> memref<64xf32, #tpu.memory_space<vmem>>
      %dma_start3A_243 = arith.constant 0 : i32
      %dma_start3A_244 = tpu.memref_slice %arg4[%squeeze3A_233, %dma_start3A_243] : memref<1000000x64xf32, #tpu.memory_space<hbm>> -> memref<1x64xf32, #tpu.memory_space<hbm>>
      %dma_start3A_245 = tpu.memref_squeeze %dma_start3A_244 : memref<1x64xf32, #tpu.memory_space<hbm>> -> memref<64xf32, #tpu.memory_space<hbm>>
      tpu.enqueue_dma source(%dma_start3A_245 : memref<64xf32, #tpu.memory_space<hbm>>) target(%dma_start3A_242 : memref<64xf32, #tpu.memory_space<vmem>>) target_semaphore(%arg9 : memref<!tpu.dma_semaphore, #tpu.memory_space<semaphore_mem>>)
      %mul3A_246 = arith.constant 16 : i32
      %mul3A_247 = arith.muli %scan3A_60, %mul3A_246 : i32
      %add3A_248 = arith.constant 10 : i32
      %add3A_249 = arith.addi %mul3A_247, %add3A_248 : i32
      %slice3A_250 = vector.extract_strided_slice %get3A_67 {offsets = [10], sizes = [1], strides = [1]} : vector<16xi32> to vector<1xi32>
      %squeeze3A_251 = vector.extract %slice3A_250[0] : i32 from vector<1xi32>
      %dma_start3A_252 = arith.constant 0 : i32
      %dma_start3A_253 = tpu.memref_slice %arg7[%add3A_249, %dma_start3A_252] : memref<512x64xf32, #tpu.memory_space<vmem>> -> memref<1x64xf32, #tpu.memory_space<vmem>>
      %dma_start3A_254 = tpu.memref_squeeze %dma_start3A_253 : memref<1x64xf32, #tpu.memory_space<vmem>> -> memref<64xf32, #tpu.memory_space<vmem>>
      %dma_start3A_255 = arith.constant 0 : i32
      %dma_start3A_256 = tpu.memref_slice %arg4[%squeeze3A_251, %dma_start3A_255] : memref<1000000x64xf32, #tpu.memory_space<hbm>> -> memref<1x64xf32, #tpu.memory_space<hbm>>
      %dma_start3A_257 = tpu.memref_squeeze %dma_start3A_256 : memref<1x64xf32, #tpu.memory_space<hbm>> -> memref<64xf32, #tpu.memory_space<hbm>>
      %dma_start3A_258 = arith.constant 0 : i32
      %dma_start3A_259 = tpu.memref_slice %arg7[%add3A_249, %dma_start3A_258] : memref<512x64xf32, #tpu.memory_space<vmem>> -> memref<1x64xf32, #tpu.memory_space<vmem>>
      %dma_start3A_260 = tpu.memref_squeeze %dma_start3A_259 : memref<1x64xf32, #tpu.memory_space<vmem>> -> memref<64xf32, #tpu.memory_space<vmem>>
      %dma_start3A_261 = arith.constant 0 : i32
      %dma_start3A_262 = tpu.memref_slice %arg4[%squeeze3A_251, %dma_start3A_261] : memref<1000000x64xf32, #tpu.memory_space<hbm>> -> memref<1x64xf32, #tpu.memory_space<hbm>>
      %dma_start3A_263 = tpu.memref_squeeze %dma_start3A_262 : memref<1x64xf32, #tpu.memory_space<hbm>> -> memref<64xf32, #tpu.memory_space<hbm>>
      tpu.enqueue_dma source(%dma_start3A_263 : memref<64xf32, #tpu.memory_space<hbm>>) target(%dma_start3A_260 : memref<64xf32, #tpu.memory_space<vmem>>) target_semaphore(%arg9 : memref<!tpu.dma_semaphore, #tpu.memory_space<semaphore_mem>>)
      %mul3A_264 = arith.constant 16 : i32
      %mul3A_265 = arith.muli %scan3A_60, %mul3A_264 : i32
      %add3A_266 = arith.constant 11 : i32
      %add3A_267 = arith.addi %mul3A_265, %add3A_266 : i32
      %slice3A_268 = vector.extract_strided_slice %get3A_67 {offsets = [11], sizes = [1], strides = [1]} : vector<16xi32> to vector<1xi32>
      %squeeze3A_269 = vector.extract %slice3A_268[0] : i32 from vector<1xi32>
      %dma_start3A_270 = arith.constant 0 : i32
      %dma_start3A_271 = tpu.memref_slice %arg7[%add3A_267, %dma_start3A_270] : memref<512x64xf32, #tpu.memory_space<vmem>> -> memref<1x64xf32, #tpu.memory_space<vmem>>
      %dma_start3A_272 = tpu.memref_squeeze %dma_start3A_271 : memref<1x64xf32, #tpu.memory_space<vmem>> -> memref<64xf32, #tpu.memory_space<vmem>>
      %dma_start3A_273 = arith.constant 0 : i32
      %dma_start3A_274 = tpu.memref_slice %arg4[%squeeze3A_269, %dma_start3A_273] : memref<1000000x64xf32, #tpu.memory_space<hbm>> -> memref<1x64xf32, #tpu.memory_space<hbm>>
      %dma_start3A_275 = tpu.memref_squeeze %dma_start3A_274 : memref<1x64xf32, #tpu.memory_space<hbm>> -> memref<64xf32, #tpu.memory_space<hbm>>
      %dma_start3A_276 = arith.constant 0 : i32
      %dma_start3A_277 = tpu.memref_slice %arg7[%add3A_267, %dma_start3A_276] : memref<512x64xf32, #tpu.memory_space<vmem>> -> memref<1x64xf32, #tpu.memory_space<vmem>>
      %dma_start3A_278 = tpu.memref_squeeze %dma_start3A_277 : memref<1x64xf32, #tpu.memory_space<vmem>> -> memref<64xf32, #tpu.memory_space<vmem>>
      %dma_start3A_279 = arith.constant 0 : i32
      %dma_start3A_280 = tpu.memref_slice %arg4[%squeeze3A_269, %dma_start3A_279] : memref<1000000x64xf32, #tpu.memory_space<hbm>> -> memref<1x64xf32, #tpu.memory_space<hbm>>
      %dma_start3A_281 = tpu.memref_squeeze %dma_start3A_280 : memref<1x64xf32, #tpu.memory_space<hbm>> -> memref<64xf32, #tpu.memory_space<hbm>>
      tpu.enqueue_dma source(%dma_start3A_281 : memref<64xf32, #tpu.memory_space<hbm>>) target(%dma_start3A_278 : memref<64xf32, #tpu.memory_space<vmem>>) target_semaphore(%arg9 : memref<!tpu.dma_semaphore, #tpu.memory_space<semaphore_mem>>)
      %mul3A_282 = arith.constant 16 : i32
      %mul3A_283 = arith.muli %scan3A_60, %mul3A_282 : i32
      %add3A_284 = arith.constant 12 : i32
      %add3A_285 = arith.addi %mul3A_283, %add3A_284 : i32
      %slice3A_286 = vector.extract_strided_slice %get3A_67 {offsets = [12], sizes = [1], strides = [1]} : vector<16xi32> to vector<1xi32>
      %squeeze3A_287 = vector.extract %slice3A_286[0] : i32 from vector<1xi32>
      %dma_start3A_288 = arith.constant 0 : i32
      %dma_start3A_289 = tpu.memref_slice %arg7[%add3A_285, %dma_start3A_288] : memref<512x64xf32, #tpu.memory_space<vmem>> -> memref<1x64xf32, #tpu.memory_space<vmem>>
      %dma_start3A_290 = tpu.memref_squeeze %dma_start3A_289 : memref<1x64xf32, #tpu.memory_space<vmem>> -> memref<64xf32, #tpu.memory_space<vmem>>
      %dma_start3A_291 = arith.constant 0 : i32
      %dma_start3A_292 = tpu.memref_slice %arg4[%squeeze3A_287, %dma_start3A_291] : memref<1000000x64xf32, #tpu.memory_space<hbm>> -> memref<1x64xf32, #tpu.memory_space<hbm>>
      %dma_start3A_293 = tpu.memref_squeeze %dma_start3A_292 : memref<1x64xf32, #tpu.memory_space<hbm>> -> memref<64xf32, #tpu.memory_space<hbm>>
      %dma_start3A_294 = arith.constant 0 : i32
      %dma_start3A_295 = tpu.memref_slice %arg7[%add3A_285, %dma_start3A_294] : memref<512x64xf32, #tpu.memory_space<vmem>> -> memref<1x64xf32, #tpu.memory_space<vmem>>
      %dma_start3A_296 = tpu.memref_squeeze %dma_start3A_295 : memref<1x64xf32, #tpu.memory_space<vmem>> -> memref<64xf32, #tpu.memory_space<vmem>>
      %dma_start3A_297 = arith.constant 0 : i32
      %dma_start3A_298 = tpu.memref_slice %arg4[%squeeze3A_287, %dma_start3A_297] : memref<1000000x64xf32, #tpu.memory_space<hbm>> -> memref<1x64xf32, #tpu.memory_space<hbm>>
      %dma_start3A_299 = tpu.memref_squeeze %dma_start3A_298 : memref<1x64xf32, #tpu.memory_space<hbm>> -> memref<64xf32, #tpu.memory_space<hbm>>
      tpu.enqueue_dma source(%dma_start3A_299 : memref<64xf32, #tpu.memory_space<hbm>>) target(%dma_start3A_296 : memref<64xf32, #tpu.memory_space<vmem>>) target_semaphore(%arg9 : memref<!tpu.dma_semaphore, #tpu.memory_space<semaphore_mem>>)
      %mul3A_300 = arith.constant 16 : i32
      %mul3A_301 = arith.muli %scan3A_60, %mul3A_300 : i32
      %add3A_302 = arith.constant 13 : i32
      %add3A_303 = arith.addi %mul3A_301, %add3A_302 : i32
      %slice3A_304 = vector.extract_strided_slice %get3A_67 {offsets = [13], sizes = [1], strides = [1]} : vector<16xi32> to vector<1xi32>
      %squeeze3A_305 = vector.extract %slice3A_304[0] : i32 from vector<1xi32>
      %dma_start3A_306 = arith.constant 0 : i32
      %dma_start3A_307 = tpu.memref_slice %arg7[%add3A_303, %dma_start3A_306] : memref<512x64xf32, #tpu.memory_space<vmem>> -> memref<1x64xf32, #tpu.memory_space<vmem>>
      %dma_start3A_308 = tpu.memref_squeeze %dma_start3A_307 : memref<1x64xf32, #tpu.memory_space<vmem>> -> memref<64xf32, #tpu.memory_space<vmem>>
      %dma_start3A_309 = arith.constant 0 : i32
      %dma_start3A_310 = tpu.memref_slice %arg4[%squeeze3A_305, %dma_start3A_309] : memref<1000000x64xf32, #tpu.memory_space<hbm>> -> memref<1x64xf32, #tpu.memory_space<hbm>>
      %dma_start3A_311 = tpu.memref_squeeze %dma_start3A_310 : memref<1x64xf32, #tpu.memory_space<hbm>> -> memref<64xf32, #tpu.memory_space<hbm>>
      %dma_start3A_312 = arith.constant 0 : i32
      %dma_start3A_313 = tpu.memref_slice %arg7[%add3A_303, %dma_start3A_312] : memref<512x64xf32, #tpu.memory_space<vmem>> -> memref<1x64xf32, #tpu.memory_space<vmem>>
      %dma_start3A_314 = tpu.memref_squeeze %dma_start3A_313 : memref<1x64xf32, #tpu.memory_space<vmem>> -> memref<64xf32, #tpu.memory_space<vmem>>
      %dma_start3A_315 = arith.constant 0 : i32
      %dma_start3A_316 = tpu.memref_slice %arg4[%squeeze3A_305, %dma_start3A_315] : memref<1000000x64xf32, #tpu.memory_space<hbm>> -> memref<1x64xf32, #tpu.memory_space<hbm>>
      %dma_start3A_317 = tpu.memref_squeeze %dma_start3A_316 : memref<1x64xf32, #tpu.memory_space<hbm>> -> memref<64xf32, #tpu.memory_space<hbm>>
      tpu.enqueue_dma source(%dma_start3A_317 : memref<64xf32, #tpu.memory_space<hbm>>) target(%dma_start3A_314 : memref<64xf32, #tpu.memory_space<vmem>>) target_semaphore(%arg9 : memref<!tpu.dma_semaphore, #tpu.memory_space<semaphore_mem>>)
      %mul3A_318 = arith.constant 16 : i32
      %mul3A_319 = arith.muli %scan3A_60, %mul3A_318 : i32
      %add3A_320 = arith.constant 14 : i32
      %add3A_321 = arith.addi %mul3A_319, %add3A_320 : i32
      %slice3A_322 = vector.extract_strided_slice %get3A_67 {offsets = [14], sizes = [1], strides = [1]} : vector<16xi32> to vector<1xi32>
      %squeeze3A_323 = vector.extract %slice3A_322[0] : i32 from vector<1xi32>
      %dma_start3A_324 = arith.constant 0 : i32
      %dma_start3A_325 = tpu.memref_slice %arg7[%add3A_321, %dma_start3A_324] : memref<512x64xf32, #tpu.memory_space<vmem>> -> memref<1x64xf32, #tpu.memory_space<vmem>>
      %dma_start3A_326 = tpu.memref_squeeze %dma_start3A_325 : memref<1x64xf32, #tpu.memory_space<vmem>> -> memref<64xf32, #tpu.memory_space<vmem>>
      %dma_start3A_327 = arith.constant 0 : i32
      %dma_start3A_328 = tpu.memref_slice %arg4[%squeeze3A_323, %dma_start3A_327] : memref<1000000x64xf32, #tpu.memory_space<hbm>> -> memref<1x64xf32, #tpu.memory_space<hbm>>
      %dma_start3A_329 = tpu.memref_squeeze %dma_start3A_328 : memref<1x64xf32, #tpu.memory_space<hbm>> -> memref<64xf32, #tpu.memory_space<hbm>>
      %dma_start3A_330 = arith.constant 0 : i32
      %dma_start3A_331 = tpu.memref_slice %arg7[%add3A_321, %dma_start3A_330] : memref<512x64xf32, #tpu.memory_space<vmem>> -> memref<1x64xf32, #tpu.memory_space<vmem>>
      %dma_start3A_332 = tpu.memref_squeeze %dma_start3A_331 : memref<1x64xf32, #tpu.memory_space<vmem>> -> memref<64xf32, #tpu.memory_space<vmem>>
      %dma_start3A_333 = arith.constant 0 : i32
      %dma_start3A_334 = tpu.memref_slice %arg4[%squeeze3A_323, %dma_start3A_333] : memref<1000000x64xf32, #tpu.memory_space<hbm>> -> memref<1x64xf32, #tpu.memory_space<hbm>>
      %dma_start3A_335 = tpu.memref_squeeze %dma_start3A_334 : memref<1x64xf32, #tpu.memory_space<hbm>> -> memref<64xf32, #tpu.memory_space<hbm>>
      tpu.enqueue_dma source(%dma_start3A_335 : memref<64xf32, #tpu.memory_space<hbm>>) target(%dma_start3A_332 : memref<64xf32, #tpu.memory_space<vmem>>) target_semaphore(%arg9 : memref<!tpu.dma_semaphore, #tpu.memory_space<semaphore_mem>>)
      %mul3A_336 = arith.constant 16 : i32
      %mul3A_337 = arith.muli %scan3A_60, %mul3A_336 : i32
      %add3A_338 = arith.constant 15 : i32
      %add3A_339 = arith.addi %mul3A_337, %add3A_338 : i32
      %slice3A_340 = vector.extract_strided_slice %get3A_67 {offsets = [15], sizes = [1], strides = [1]} : vector<16xi32> to vector<1xi32>
      %squeeze3A_341 = vector.extract %slice3A_340[0] : i32 from vector<1xi32>
      %dma_start3A_342 = arith.constant 0 : i32
      %dma_start3A_343 = tpu.memref_slice %arg7[%add3A_339, %dma_start3A_342] : memref<512x64xf32, #tpu.memory_space<vmem>> -> memref<1x64xf32, #tpu.memory_space<vmem>>
      %dma_start3A_344 = tpu.memref_squeeze %dma_start3A_343 : memref<1x64xf32, #tpu.memory_space<vmem>> -> memref<64xf32, #tpu.memory_space<vmem>>
      %dma_start3A_345 = arith.constant 0 : i32
      %dma_start3A_346 = tpu.memref_slice %arg4[%squeeze3A_341, %dma_start3A_345] : memref<1000000x64xf32, #tpu.memory_space<hbm>> -> memref<1x64xf32, #tpu.memory_space<hbm>>
      %dma_start3A_347 = tpu.memref_squeeze %dma_start3A_346 : memref<1x64xf32, #tpu.memory_space<hbm>> -> memref<64xf32, #tpu.memory_space<hbm>>
      %dma_start3A_348 = arith.constant 0 : i32
      %dma_start3A_349 = tpu.memref_slice %arg7[%add3A_339, %dma_start3A_348] : memref<512x64xf32, #tpu.memory_space<vmem>> -> memref<1x64xf32, #tpu.memory_space<vmem>>
      %dma_start3A_350 = tpu.memref_squeeze %dma_start3A_349 : memref<1x64xf32, #tpu.memory_space<vmem>> -> memref<64xf32, #tpu.memory_space<vmem>>
      %dma_start3A_351 = arith.constant 0 : i32
      %dma_start3A_352 = tpu.memref_slice %arg4[%squeeze3A_341, %dma_start3A_351] : memref<1000000x64xf32, #tpu.memory_space<hbm>> -> memref<1x64xf32, #tpu.memory_space<hbm>>
      %dma_start3A_353 = tpu.memref_squeeze %dma_start3A_352 : memref<1x64xf32, #tpu.memory_space<hbm>> -> memref<64xf32, #tpu.memory_space<hbm>>
      tpu.enqueue_dma source(%dma_start3A_353 : memref<64xf32, #tpu.memory_space<hbm>>) target(%dma_start3A_350 : memref<64xf32, #tpu.memory_space<vmem>>) target_semaphore(%arg9 : memref<!tpu.dma_semaphore, #tpu.memory_space<semaphore_mem>>)
    }
    %scan3A_7 = arith.constant 32 : i32
    %dma_wait3A = arith.constant 0 : i32
    %dma_wait3A_8 = arith.constant 0 : i32
    %dma_wait3A_9 = tpu.memref_slice %arg4[%dma_wait3A, %dma_wait3A_8] : memref<1000000x64xf32, #tpu.memory_space<hbm>> -> memref<512x64xf32, #tpu.memory_space<hbm>>
    %dma_wait3A_10 = arith.constant 0 : i32
    %dma_wait3A_11 = arith.constant 0 : i32
    %dma_wait3A_12 = tpu.memref_slice %arg4[%dma_wait3A_10, %dma_wait3A_11] : memref<1000000x64xf32, #tpu.memory_space<hbm>> -> memref<512x64xf32, #tpu.memory_space<hbm>>
    tpu.wait_dma2 semaphore(%arg9 : memref<!tpu.dma_semaphore, #tpu.memory_space<semaphore_mem>>) src(%dma_wait3A_12 : memref<512x64xf32, #tpu.memory_space<hbm>>) dst(%arg7 : memref<512x64xf32, #tpu.memory_space<vmem>>)
    %scan3A_13 = arith.constant 0 : i32
    %scan3A_14 = arith.constant 0 : i32
    %scan3A_15 = arith.constant 512 : i32
    %scan3A_16 = arith.addi %scan3A_14, %scan3A_15 : i32
    %scan3A_17 = arith.constant 1 : i32
    scf.for %scan3A_60 = %scan3A_14 to %scan3A_16 step %scan3A_17  : i32 {
      %get3A_61 = arith.index_cast %scan3A_60 : i32 to index
      %get3A_62 = arith.constant 0 : index
      %get3A_63 = tpu.vector_load %arg7[%get3A_61, %get3A_62] {strides = array<i32>} : memref<512x64xf32, #tpu.memory_space<vmem>>, vector<1x16xf32>,
      %get3A_64 = vector.shape_cast %get3A_63 : vector<1x16xf32> to vector<16xf32>
      %mul3A_65 = arith.mulf %get3A_64, %get3A_2 : vector<16xf32>
      %swap3A = arith.index_cast %scan3A_60 : i32 to index
      %swap3A_66 = arith.constant 0 : index
      %swap3A_67 = tpu.vector_load %arg7[%swap3A, %swap3A_66] {strides = array<i32>} : memref<512x64xf32, #tpu.memory_space<vmem>>, vector<1x16xf32>,
      %swap3A_68 = vector.shape_cast %swap3A_67 : vector<1x16xf32> to vector<16xf32>
      %swap3A_69 = vector.shape_cast %mul3A_65 : vector<16xf32> to vector<1x16xf32>
      tpu.vector_store %arg7[%swap3A, %swap3A_66], %swap3A_69 {strides = array<i32>} : memref<512x64xf32, #tpu.memory_space<vmem>>, vector<1x16xf32>,
      %get3A_70 = arith.index_cast %scan3A_60 : i32 to index
      %get3A_71 = arith.constant 16 : index
      %get3A_72 = tpu.vector_load %arg7[%get3A_70, %get3A_71] {strides = array<i32>} : memref<512x64xf32, #tpu.memory_space<vmem>>, vector<1x16xf32>,
      %get3A_73 = vector.shape_cast %get3A_72 : vector<1x16xf32> to vector<16xf32>
      %mul3A_74 = arith.mulf %get3A_73, %get3A_2 : vector<16xf32>
      %swap3A_75 = arith.index_cast %scan3A_60 : i32 to index
      %swap3A_76 = arith.constant 16 : index
      %swap3A_77 = tpu.vector_load %arg7[%swap3A_75, %swap3A_76] {strides = array<i32>} : memref<512x64xf32, #tpu.memory_space<vmem>>, vector<1x16xf32>,
      %swap3A_78 = vector.shape_cast %swap3A_77 : vector<1x16xf32> to vector<16xf32>
      %swap3A_79 = vector.shape_cast %mul3A_74 : vector<16xf32> to vector<1x16xf32>
      tpu.vector_store %arg7[%swap3A_75, %swap3A_76], %swap3A_79 {strides = array<i32>} : memref<512x64xf32, #tpu.memory_space<vmem>>, vector<1x16xf32>,
      %get3A_80 = arith.index_cast %scan3A_60 : i32 to index
      %get3A_81 = arith.constant 32 : index
      %get3A_82 = tpu.vector_load %arg7[%get3A_80, %get3A_81] {strides = array<i32>} : memref<512x64xf32, #tpu.memory_space<vmem>>, vector<1x16xf32>,
      %get3A_83 = vector.shape_cast %get3A_82 : vector<1x16xf32> to vector<16xf32>
      %mul3A_84 = arith.mulf %get3A_83, %get3A_2 : vector<16xf32>
      %swap3A_85 = arith.index_cast %scan3A_60 : i32 to index
      %swap3A_86 = arith.constant 32 : index
      %swap3A_87 = tpu.vector_load %arg7[%swap3A_85, %swap3A_86] {strides = array<i32>} : memref<512x64xf32, #tpu.memory_space<vmem>>, vector<1x16xf32>,
      %swap3A_88 = vector.shape_cast %swap3A_87 : vector<1x16xf32> to vector<16xf32>
      %swap3A_89 = vector.shape_cast %mul3A_84 : vector<16xf32> to vector<1x16xf32>
      tpu.vector_store %arg7[%swap3A_85, %swap3A_86], %swap3A_89 {strides = array<i32>} : memref<512x64xf32, #tpu.memory_space<vmem>>, vector<1x16xf32>,
      %get3A_90 = arith.index_cast %scan3A_60 : i32 to index
      %get3A_91 = arith.constant 48 : index
      %get3A_92 = tpu.vector_load %arg7[%get3A_90, %get3A_91] {strides = array<i32>} : memref<512x64xf32, #tpu.memory_space<vmem>>, vector<1x16xf32>,
      %get3A_93 = vector.shape_cast %get3A_92 : vector<1x16xf32> to vector<16xf32>
      %mul3A_94 = arith.mulf %get3A_93, %get3A_2 : vector<16xf32>
      %swap3A_95 = arith.index_cast %scan3A_60 : i32 to index
      %swap3A_96 = arith.constant 48 : index
      %swap3A_97 = tpu.vector_load %arg7[%swap3A_95, %swap3A_96] {strides = array<i32>} : memref<512x64xf32, #tpu.memory_space<vmem>>, vector<1x16xf32>,
      %swap3A_98 = vector.shape_cast %swap3A_97 : vector<1x16xf32> to vector<16xf32>
      %swap3A_99 = vector.shape_cast %mul3A_94 : vector<16xf32> to vector<1x16xf32>
      tpu.vector_store %arg7[%swap3A_95, %swap3A_96], %swap3A_99 {strides = array<i32>} : memref<512x64xf32, #tpu.memory_space<vmem>>, vector<1x16xf32>,
    }
    %scan3A_18 = arith.constant 512 : i32
    %mul3A_19 = arith.constant 1024 : i32
    %mul3A_20 = arith.muli %add3A, %mul3A_19 : i32
    %add3A_21 = arith.constant 0 : i32
    %add3A_22 = arith.addi %mul3A_20, %add3A_21 : i32
    %dma_start3A = arith.constant 0 : i32
    %dma_start3A_23 = tpu.memref_slice %arg5[%add3A_22, %dma_start3A] : memref<32768x64xf32, #tpu.memory_space<hbm>> -> memref<512x64xf32, #tpu.memory_space<hbm>>
    %dma_start3A_24 = arith.constant 0 : i32
    %dma_start3A_25 = tpu.memref_slice %arg5[%add3A_22, %dma_start3A_24] : memref<32768x64xf32, #tpu.memory_space<hbm>> -> memref<512x64xf32, #tpu.memory_space<hbm>>
    tpu.enqueue_dma source(%arg7 : memref<512x64xf32, #tpu.memory_space<vmem>>) target(%dma_start3A_25 : memref<512x64xf32, #tpu.memory_space<hbm>>) target_semaphore(%arg10 : memref<!tpu.dma_semaphore, #tpu.memory_space<semaphore_mem>>)
    %dma_wait3A_26 = arith.constant 0 : i32
    %dma_wait3A_27 = tpu.memref_slice %arg5[%add3A_22, %dma_wait3A_26] : memref<32768x64xf32, #tpu.memory_space<hbm>> -> memref<512x64xf32, #tpu.memory_space<hbm>>
    %dma_wait3A_28 = arith.constant 0 : i32
    %dma_wait3A_29 = tpu.memref_slice %arg5[%add3A_22, %dma_wait3A_28] : memref<32768x64xf32, #tpu.memory_space<hbm>> -> memref<512x64xf32, #tpu.memory_space<hbm>>
    tpu.wait_dma2 semaphore(%arg10 : memref<!tpu.dma_semaphore, #tpu.memory_space<semaphore_mem>>) src(%arg7 : memref<512x64xf32, #tpu.memory_space<vmem>>) dst(%dma_wait3A_29 : memref<512x64xf32, #tpu.memory_space<hbm>>)
    %scan3A_30 = arith.constant 0 : i32
    %scan3A_31 = arith.constant 0 : i32
    %scan3A_32 = arith.constant 32 : i32
    %scan3A_33 = arith.addi %scan3A_31, %scan3A_32 : i32
    %scan3A_34 = arith.constant 1 : i32
    scf.for %scan3A_60 = %scan3A_31 to %scan3A_33 step %scan3A_34  : i32 {
      %mul3A_61 = arith.constant 16 : i32
      %mul3A_62 = arith.muli %scan3A_60, %mul3A_61 : i32
      %add3A_63 = arith.constant 512 : i32
      %add3A_64 = arith.addi %add3A_63, %mul3A_62 : i32
      %get3A_65 = arith.index_cast %add3A_64 : i32 to index
      %get3A_66 = tpu.vector_load %arg6[%get3A_65] {strides = array<i32>} : memref<1024xi32, #tpu.memory_space<vmem>>, vector<16xi32>,
      %get3A_67 = vector.shape_cast %get3A_66 : vector<16xi32> to vector<16xi32>
      %mul3A_68 = arith.constant 16 : i32
      %mul3A_69 = arith.muli %scan3A_60, %mul3A_68 : i32
      %add3A_70 = arith.constant 0 : i32
      %add3A_71 = arith.addi %mul3A_69, %add3A_70 : i32
      %slice3A = vector.extract_strided_slice %get3A_67 {offsets = [0], sizes = [1], strides = [1]} : vector<16xi32> to vector<1xi32>
      %squeeze3A = vector.extract %slice3A[0] : i32 from vector<1xi32>
      %dma_start3A_72 = arith.constant 0 : i32
      %dma_start3A_73 = tpu.memref_slice %arg7[%add3A_71, %dma_start3A_72] : memref<512x64xf32, #tpu.memory_space<vmem>> -> memref<1x64xf32, #tpu.memory_space<vmem>>
      %dma_start3A_74 = tpu.memref_squeeze %dma_start3A_73 : memref<1x64xf32, #tpu.memory_space<vmem>> -> memref<64xf32, #tpu.memory_space<vmem>>
      %dma_start3A_75 = arith.constant 0 : i32
      %dma_start3A_76 = tpu.memref_slice %arg4[%squeeze3A, %dma_start3A_75] : memref<1000000x64xf32, #tpu.memory_space<hbm>> -> memref<1x64xf32, #tpu.memory_space<hbm>>
      %dma_start3A_77 = tpu.memref_squeeze %dma_start3A_76 : memref<1x64xf32, #tpu.memory_space<hbm>> -> memref<64xf32, #tpu.memory_space<hbm>>
      %dma_start3A_78 = arith.constant 0 : i32
      %dma_start3A_79 = tpu.memref_slice %arg7[%add3A_71, %dma_start3A_78] : memref<512x64xf32, #tpu.memory_space<vmem>> -> memref<1x64xf32, #tpu.memory_space<vmem>>
      %dma_start3A_80 = tpu.memref_squeeze %dma_start3A_79 : memref<1x64xf32, #tpu.memory_space<vmem>> -> memref<64xf32, #tpu.memory_space<vmem>>
      %dma_start3A_81 = arith.constant 0 : i32
      %dma_start3A_82 = tpu.memref_slice %arg4[%squeeze3A, %dma_start3A_81] : memref<1000000x64xf32, #tpu.memory_space<hbm>> -> memref<1x64xf32, #tpu.memory_space<hbm>>
      %dma_start3A_83 = tpu.memref_squeeze %dma_start3A_82 : memref<1x64xf32, #tpu.memory_space<hbm>> -> memref<64xf32, #tpu.memory_space<hbm>>
      tpu.enqueue_dma source(%dma_start3A_83 : memref<64xf32, #tpu.memory_space<hbm>>) target(%dma_start3A_80 : memref<64xf32, #tpu.memory_space<vmem>>) target_semaphore(%arg9 : memref<!tpu.dma_semaphore, #tpu.memory_space<semaphore_mem>>)
      %mul3A_84 = arith.constant 16 : i32
      %mul3A_85 = arith.muli %scan3A_60, %mul3A_84 : i32
      %add3A_86 = arith.constant 1 : i32
      %add3A_87 = arith.addi %mul3A_85, %add3A_86 : i32
      %slice3A_88 = vector.extract_strided_slice %get3A_67 {offsets = [1], sizes = [1], strides = [1]} : vector<16xi32> to vector<1xi32>
      %squeeze3A_89 = vector.extract %slice3A_88[0] : i32 from vector<1xi32>
      %dma_start3A_90 = arith.constant 0 : i32
      %dma_start3A_91 = tpu.memref_slice %arg7[%add3A_87, %dma_start3A_90] : memref<512x64xf32, #tpu.memory_space<vmem>> -> memref<1x64xf32, #tpu.memory_space<vmem>>
      %dma_start3A_92 = tpu.memref_squeeze %dma_start3A_91 : memref<1x64xf32, #tpu.memory_space<vmem>> -> memref<64xf32, #tpu.memory_space<vmem>>
      %dma_start3A_93 = arith.constant 0 : i32
      %dma_start3A_94 = tpu.memref_slice %arg4[%squeeze3A_89, %dma_start3A_93] : memref<1000000x64xf32, #tpu.memory_space<hbm>> -> memref<1x64xf32, #tpu.memory_space<hbm>>
      %dma_start3A_95 = tpu.memref_squeeze %dma_start3A_94 : memref<1x64xf32, #tpu.memory_space<hbm>> -> memref<64xf32, #tpu.memory_space<hbm>>
      %dma_start3A_96 = arith.constant 0 : i32
      %dma_start3A_97 = tpu.memref_slice %arg7[%add3A_87, %dma_start3A_96] : memref<512x64xf32, #tpu.memory_space<vmem>> -> memref<1x64xf32, #tpu.memory_space<vmem>>
      %dma_start3A_98 = tpu.memref_squeeze %dma_start3A_97 : memref<1x64xf32, #tpu.memory_space<vmem>> -> memref<64xf32, #tpu.memory_space<vmem>>
      %dma_start3A_99 = arith.constant 0 : i32
      %dma_start3A_100 = tpu.memref_slice %arg4[%squeeze3A_89, %dma_start3A_99] : memref<1000000x64xf32, #tpu.memory_space<hbm>> -> memref<1x64xf32, #tpu.memory_space<hbm>>
      %dma_start3A_101 = tpu.memref_squeeze %dma_start3A_100 : memref<1x64xf32, #tpu.memory_space<hbm>> -> memref<64xf32, #tpu.memory_space<hbm>>
      tpu.enqueue_dma source(%dma_start3A_101 : memref<64xf32, #tpu.memory_space<hbm>>) target(%dma_start3A_98 : memref<64xf32, #tpu.memory_space<vmem>>) target_semaphore(%arg9 : memref<!tpu.dma_semaphore, #tpu.memory_space<semaphore_mem>>)
      %mul3A_102 = arith.constant 16 : i32
      %mul3A_103 = arith.muli %scan3A_60, %mul3A_102 : i32
      %add3A_104 = arith.constant 2 : i32
      %add3A_105 = arith.addi %mul3A_103, %add3A_104 : i32
      %slice3A_106 = vector.extract_strided_slice %get3A_67 {offsets = [2], sizes = [1], strides = [1]} : vector<16xi32> to vector<1xi32>
      %squeeze3A_107 = vector.extract %slice3A_106[0] : i32 from vector<1xi32>
      %dma_start3A_108 = arith.constant 0 : i32
      %dma_start3A_109 = tpu.memref_slice %arg7[%add3A_105, %dma_start3A_108] : memref<512x64xf32, #tpu.memory_space<vmem>> -> memref<1x64xf32, #tpu.memory_space<vmem>>
      %dma_start3A_110 = tpu.memref_squeeze %dma_start3A_109 : memref<1x64xf32, #tpu.memory_space<vmem>> -> memref<64xf32, #tpu.memory_space<vmem>>
      %dma_start3A_111 = arith.constant 0 : i32
      %dma_start3A_112 = tpu.memref_slice %arg4[%squeeze3A_107, %dma_start3A_111] : memref<1000000x64xf32, #tpu.memory_space<hbm>> -> memref<1x64xf32, #tpu.memory_space<hbm>>
      %dma_start3A_113 = tpu.memref_squeeze %dma_start3A_112 : memref<1x64xf32, #tpu.memory_space<hbm>> -> memref<64xf32, #tpu.memory_space<hbm>>
      %dma_start3A_114 = arith.constant 0 : i32
      %dma_start3A_115 = tpu.memref_slice %arg7[%add3A_105, %dma_start3A_114] : memref<512x64xf32, #tpu.memory_space<vmem>> -> memref<1x64xf32, #tpu.memory_space<vmem>>
      %dma_start3A_116 = tpu.memref_squeeze %dma_start3A_115 : memref<1x64xf32, #tpu.memory_space<vmem>> -> memref<64xf32, #tpu.memory_space<vmem>>
      %dma_start3A_117 = arith.constant 0 : i32
      %dma_start3A_118 = tpu.memref_slice %arg4[%squeeze3A_107, %dma_start3A_117] : memref<1000000x64xf32, #tpu.memory_space<hbm>> -> memref<1x64xf32, #tpu.memory_space<hbm>>
      %dma_start3A_119 = tpu.memref_squeeze %dma_start3A_118 : memref<1x64xf32, #tpu.memory_space<hbm>> -> memref<64xf32, #tpu.memory_space<hbm>>
      tpu.enqueue_dma source(%dma_start3A_119 : memref<64xf32, #tpu.memory_space<hbm>>) target(%dma_start3A_116 : memref<64xf32, #tpu.memory_space<vmem>>) target_semaphore(%arg9 : memref<!tpu.dma_semaphore, #tpu.memory_space<semaphore_mem>>)
      %mul3A_120 = arith.constant 16 : i32
      %mul3A_121 = arith.muli %scan3A_60, %mul3A_120 : i32
      %add3A_122 = arith.constant 3 : i32
      %add3A_123 = arith.addi %mul3A_121, %add3A_122 : i32
      %slice3A_124 = vector.extract_strided_slice %get3A_67 {offsets = [3], sizes = [1], strides = [1]} : vector<16xi32> to vector<1xi32>
      %squeeze3A_125 = vector.extract %slice3A_124[0] : i32 from vector<1xi32>
      %dma_start3A_126 = arith.constant 0 : i32
      %dma_start3A_127 = tpu.memref_slice %arg7[%add3A_123, %dma_start3A_126] : memref<512x64xf32, #tpu.memory_space<vmem>> -> memref<1x64xf32, #tpu.memory_space<vmem>>
      %dma_start3A_128 = tpu.memref_squeeze %dma_start3A_127 : memref<1x64xf32, #tpu.memory_space<vmem>> -> memref<64xf32, #tpu.memory_space<vmem>>
      %dma_start3A_129 = arith.constant 0 : i32
      %dma_start3A_130 = tpu.memref_slice %arg4[%squeeze3A_125, %dma_start3A_129] : memref<1000000x64xf32, #tpu.memory_space<hbm>> -> memref<1x64xf32, #tpu.memory_space<hbm>>
      %dma_start3A_131 = tpu.memref_squeeze %dma_start3A_130 : memref<1x64xf32, #tpu.memory_space<hbm>> -> memref<64xf32, #tpu.memory_space<hbm>>
      %dma_start3A_132 = arith.constant 0 : i32
      %dma_start3A_133 = tpu.memref_slice %arg7[%add3A_123, %dma_start3A_132] : memref<512x64xf32, #tpu.memory_space<vmem>> -> memref<1x64xf32, #tpu.memory_space<vmem>>
      %dma_start3A_134 = tpu.memref_squeeze %dma_start3A_133 : memref<1x64xf32, #tpu.memory_space<vmem>> -> memref<64xf32, #tpu.memory_space<vmem>>
      %dma_start3A_135 = arith.constant 0 : i32
      %dma_start3A_136 = tpu.memref_slice %arg4[%squeeze3A_125, %dma_start3A_135] : memref<1000000x64xf32, #tpu.memory_space<hbm>> -> memref<1x64xf32, #tpu.memory_space<hbm>>
      %dma_start3A_137 = tpu.memref_squeeze %dma_start3A_136 : memref<1x64xf32, #tpu.memory_space<hbm>> -> memref<64xf32, #tpu.memory_space<hbm>>
      tpu.enqueue_dma source(%dma_start3A_137 : memref<64xf32, #tpu.memory_space<hbm>>) target(%dma_start3A_134 : memref<64xf32, #tpu.memory_space<vmem>>) target_semaphore(%arg9 : memref<!tpu.dma_semaphore, #tpu.memory_space<semaphore_mem>>)
      %mul3A_138 = arith.constant 16 : i32
      %mul3A_139 = arith.muli %scan3A_60, %mul3A_138 : i32
      %add3A_140 = arith.constant 4 : i32
      %add3A_141 = arith.addi %mul3A_139, %add3A_140 : i32
      %slice3A_142 = vector.extract_strided_slice %get3A_67 {offsets = [4], sizes = [1], strides = [1]} : vector<16xi32> to vector<1xi32>
      %squeeze3A_143 = vector.extract %slice3A_142[0] : i32 from vector<1xi32>
      %dma_start3A_144 = arith.constant 0 : i32
      %dma_start3A_145 = tpu.memref_slice %arg7[%add3A_141, %dma_start3A_144] : memref<512x64xf32, #tpu.memory_space<vmem>> -> memref<1x64xf32, #tpu.memory_space<vmem>>
      %dma_start3A_146 = tpu.memref_squeeze %dma_start3A_145 : memref<1x64xf32, #tpu.memory_space<vmem>> -> memref<64xf32, #tpu.memory_space<vmem>>
      %dma_start3A_147 = arith.constant 0 : i32
      %dma_start3A_148 = tpu.memref_slice %arg4[%squeeze3A_143, %dma_start3A_147] : memref<1000000x64xf32, #tpu.memory_space<hbm>> -> memref<1x64xf32, #tpu.memory_space<hbm>>
      %dma_start3A_149 = tpu.memref_squeeze %dma_start3A_148 : memref<1x64xf32, #tpu.memory_space<hbm>> -> memref<64xf32, #tpu.memory_space<hbm>>
      %dma_start3A_150 = arith.constant 0 : i32
      %dma_start3A_151 = tpu.memref_slice %arg7[%add3A_141, %dma_start3A_150] : memref<512x64xf32, #tpu.memory_space<vmem>> -> memref<1x64xf32, #tpu.memory_space<vmem>>
      %dma_start3A_152 = tpu.memref_squeeze %dma_start3A_151 : memref<1x64xf32, #tpu.memory_space<vmem>> -> memref<64xf32, #tpu.memory_space<vmem>>
      %dma_start3A_153 = arith.constant 0 : i32
      %dma_start3A_154 = tpu.memref_slice %arg4[%squeeze3A_143, %dma_start3A_153] : memref<1000000x64xf32, #tpu.memory_space<hbm>> -> memref<1x64xf32, #tpu.memory_space<hbm>>
      %dma_start3A_155 = tpu.memref_squeeze %dma_start3A_154 : memref<1x64xf32, #tpu.memory_space<hbm>> -> memref<64xf32, #tpu.memory_space<hbm>>
      tpu.enqueue_dma source(%dma_start3A_155 : memref<64xf32, #tpu.memory_space<hbm>>) target(%dma_start3A_152 : memref<64xf32, #tpu.memory_space<vmem>>) target_semaphore(%arg9 : memref<!tpu.dma_semaphore, #tpu.memory_space<semaphore_mem>>)
      %mul3A_156 = arith.constant 16 : i32
      %mul3A_157 = arith.muli %scan3A_60, %mul3A_156 : i32
      %add3A_158 = arith.constant 5 : i32
      %add3A_159 = arith.addi %mul3A_157, %add3A_158 : i32
      %slice3A_160 = vector.extract_strided_slice %get3A_67 {offsets = [5], sizes = [1], strides = [1]} : vector<16xi32> to vector<1xi32>
      %squeeze3A_161 = vector.extract %slice3A_160[0] : i32 from vector<1xi32>
      %dma_start3A_162 = arith.constant 0 : i32
      %dma_start3A_163 = tpu.memref_slice %arg7[%add3A_159, %dma_start3A_162] : memref<512x64xf32, #tpu.memory_space<vmem>> -> memref<1x64xf32, #tpu.memory_space<vmem>>
      %dma_start3A_164 = tpu.memref_squeeze %dma_start3A_163 : memref<1x64xf32, #tpu.memory_space<vmem>> -> memref<64xf32, #tpu.memory_space<vmem>>
      %dma_start3A_165 = arith.constant 0 : i32
      %dma_start3A_166 = tpu.memref_slice %arg4[%squeeze3A_161, %dma_start3A_165] : memref<1000000x64xf32, #tpu.memory_space<hbm>> -> memref<1x64xf32, #tpu.memory_space<hbm>>
      %dma_start3A_167 = tpu.memref_squeeze %dma_start3A_166 : memref<1x64xf32, #tpu.memory_space<hbm>> -> memref<64xf32, #tpu.memory_space<hbm>>
      %dma_start3A_168 = arith.constant 0 : i32
      %dma_start3A_169 = tpu.memref_slice %arg7[%add3A_159, %dma_start3A_168] : memref<512x64xf32, #tpu.memory_space<vmem>> -> memref<1x64xf32, #tpu.memory_space<vmem>>
      %dma_start3A_170 = tpu.memref_squeeze %dma_start3A_169 : memref<1x64xf32, #tpu.memory_space<vmem>> -> memref<64xf32, #tpu.memory_space<vmem>>
      %dma_start3A_171 = arith.constant 0 : i32
      %dma_start3A_172 = tpu.memref_slice %arg4[%squeeze3A_161, %dma_start3A_171] : memref<1000000x64xf32, #tpu.memory_space<hbm>> -> memref<1x64xf32, #tpu.memory_space<hbm>>
      %dma_start3A_173 = tpu.memref_squeeze %dma_start3A_172 : memref<1x64xf32, #tpu.memory_space<hbm>> -> memref<64xf32, #tpu.memory_space<hbm>>
      tpu.enqueue_dma source(%dma_start3A_173 : memref<64xf32, #tpu.memory_space<hbm>>) target(%dma_start3A_170 : memref<64xf32, #tpu.memory_space<vmem>>) target_semaphore(%arg9 : memref<!tpu.dma_semaphore, #tpu.memory_space<semaphore_mem>>)
      %mul3A_174 = arith.constant 16 : i32
      %mul3A_175 = arith.muli %scan3A_60, %mul3A_174 : i32
      %add3A_176 = arith.constant 6 : i32
      %add3A_177 = arith.addi %mul3A_175, %add3A_176 : i32
      %slice3A_178 = vector.extract_strided_slice %get3A_67 {offsets = [6], sizes = [1], strides = [1]} : vector<16xi32> to vector<1xi32>
      %squeeze3A_179 = vector.extract %slice3A_178[0] : i32 from vector<1xi32>
      %dma_start3A_180 = arith.constant 0 : i32
      %dma_start3A_181 = tpu.memref_slice %arg7[%add3A_177, %dma_start3A_180] : memref<512x64xf32, #tpu.memory_space<vmem>> -> memref<1x64xf32, #tpu.memory_space<vmem>>
      %dma_start3A_182 = tpu.memref_squeeze %dma_start3A_181 : memref<1x64xf32, #tpu.memory_space<vmem>> -> memref<64xf32, #tpu.memory_space<vmem>>
      %dma_start3A_183 = arith.constant 0 : i32
      %dma_start3A_184 = tpu.memref_slice %arg4[%squeeze3A_179, %dma_start3A_183] : memref<1000000x64xf32, #tpu.memory_space<hbm>> -> memref<1x64xf32, #tpu.memory_space<hbm>>
      %dma_start3A_185 = tpu.memref_squeeze %dma_start3A_184 : memref<1x64xf32, #tpu.memory_space<hbm>> -> memref<64xf32, #tpu.memory_space<hbm>>
      %dma_start3A_186 = arith.constant 0 : i32
      %dma_start3A_187 = tpu.memref_slice %arg7[%add3A_177, %dma_start3A_186] : memref<512x64xf32, #tpu.memory_space<vmem>> -> memref<1x64xf32, #tpu.memory_space<vmem>>
      %dma_start3A_188 = tpu.memref_squeeze %dma_start3A_187 : memref<1x64xf32, #tpu.memory_space<vmem>> -> memref<64xf32, #tpu.memory_space<vmem>>
      %dma_start3A_189 = arith.constant 0 : i32
      %dma_start3A_190 = tpu.memref_slice %arg4[%squeeze3A_179, %dma_start3A_189] : memref<1000000x64xf32, #tpu.memory_space<hbm>> -> memref<1x64xf32, #tpu.memory_space<hbm>>
      %dma_start3A_191 = tpu.memref_squeeze %dma_start3A_190 : memref<1x64xf32, #tpu.memory_space<hbm>> -> memref<64xf32, #tpu.memory_space<hbm>>
      tpu.enqueue_dma source(%dma_start3A_191 : memref<64xf32, #tpu.memory_space<hbm>>) target(%dma_start3A_188 : memref<64xf32, #tpu.memory_space<vmem>>) target_semaphore(%arg9 : memref<!tpu.dma_semaphore, #tpu.memory_space<semaphore_mem>>)
      %mul3A_192 = arith.constant 16 : i32
      %mul3A_193 = arith.muli %scan3A_60, %mul3A_192 : i32
      %add3A_194 = arith.constant 7 : i32
      %add3A_195 = arith.addi %mul3A_193, %add3A_194 : i32
      %slice3A_196 = vector.extract_strided_slice %get3A_67 {offsets = [7], sizes = [1], strides = [1]} : vector<16xi32> to vector<1xi32>
      %squeeze3A_197 = vector.extract %slice3A_196[0] : i32 from vector<1xi32>
      %dma_start3A_198 = arith.constant 0 : i32
      %dma_start3A_199 = tpu.memref_slice %arg7[%add3A_195, %dma_start3A_198] : memref<512x64xf32, #tpu.memory_space<vmem>> -> memref<1x64xf32, #tpu.memory_space<vmem>>
      %dma_start3A_200 = tpu.memref_squeeze %dma_start3A_199 : memref<1x64xf32, #tpu.memory_space<vmem>> -> memref<64xf32, #tpu.memory_space<vmem>>
      %dma_start3A_201 = arith.constant 0 : i32
      %dma_start3A_202 = tpu.memref_slice %arg4[%squeeze3A_197, %dma_start3A_201] : memref<1000000x64xf32, #tpu.memory_space<hbm>> -> memref<1x64xf32, #tpu.memory_space<hbm>>
      %dma_start3A_203 = tpu.memref_squeeze %dma_start3A_202 : memref<1x64xf32, #tpu.memory_space<hbm>> -> memref<64xf32, #tpu.memory_space<hbm>>
      %dma_start3A_204 = arith.constant 0 : i32
      %dma_start3A_205 = tpu.memref_slice %arg7[%add3A_195, %dma_start3A_204] : memref<512x64xf32, #tpu.memory_space<vmem>> -> memref<1x64xf32, #tpu.memory_space<vmem>>
      %dma_start3A_206 = tpu.memref_squeeze %dma_start3A_205 : memref<1x64xf32, #tpu.memory_space<vmem>> -> memref<64xf32, #tpu.memory_space<vmem>>
      %dma_start3A_207 = arith.constant 0 : i32
      %dma_start3A_208 = tpu.memref_slice %arg4[%squeeze3A_197, %dma_start3A_207] : memref<1000000x64xf32, #tpu.memory_space<hbm>> -> memref<1x64xf32, #tpu.memory_space<hbm>>
      %dma_start3A_209 = tpu.memref_squeeze %dma_start3A_208 : memref<1x64xf32, #tpu.memory_space<hbm>> -> memref<64xf32, #tpu.memory_space<hbm>>
      tpu.enqueue_dma source(%dma_start3A_209 : memref<64xf32, #tpu.memory_space<hbm>>) target(%dma_start3A_206 : memref<64xf32, #tpu.memory_space<vmem>>) target_semaphore(%arg9 : memref<!tpu.dma_semaphore, #tpu.memory_space<semaphore_mem>>)
      %mul3A_210 = arith.constant 16 : i32
      %mul3A_211 = arith.muli %scan3A_60, %mul3A_210 : i32
      %add3A_212 = arith.constant 8 : i32
      %add3A_213 = arith.addi %mul3A_211, %add3A_212 : i32
      %slice3A_214 = vector.extract_strided_slice %get3A_67 {offsets = [8], sizes = [1], strides = [1]} : vector<16xi32> to vector<1xi32>
      %squeeze3A_215 = vector.extract %slice3A_214[0] : i32 from vector<1xi32>
      %dma_start3A_216 = arith.constant 0 : i32
      %dma_start3A_217 = tpu.memref_slice %arg7[%add3A_213, %dma_start3A_216] : memref<512x64xf32, #tpu.memory_space<vmem>> -> memref<1x64xf32, #tpu.memory_space<vmem>>
      %dma_start3A_218 = tpu.memref_squeeze %dma_start3A_217 : memref<1x64xf32, #tpu.memory_space<vmem>> -> memref<64xf32, #tpu.memory_space<vmem>>
      %dma_start3A_219 = arith.constant 0 : i32
      %dma_start3A_220 = tpu.memref_slice %arg4[%squeeze3A_215, %dma_start3A_219] : memref<1000000x64xf32, #tpu.memory_space<hbm>> -> memref<1x64xf32, #tpu.memory_space<hbm>>
      %dma_start3A_221 = tpu.memref_squeeze %dma_start3A_220 : memref<1x64xf32, #tpu.memory_space<hbm>> -> memref<64xf32, #tpu.memory_space<hbm>>
      %dma_start3A_222 = arith.constant 0 : i32
      %dma_start3A_223 = tpu.memref_slice %arg7[%add3A_213, %dma_start3A_222] : memref<512x64xf32, #tpu.memory_space<vmem>> -> memref<1x64xf32, #tpu.memory_space<vmem>>
      %dma_start3A_224 = tpu.memref_squeeze %dma_start3A_223 : memref<1x64xf32, #tpu.memory_space<vmem>> -> memref<64xf32, #tpu.memory_space<vmem>>
      %dma_start3A_225 = arith.constant 0 : i32
      %dma_start3A_226 = tpu.memref_slice %arg4[%squeeze3A_215, %dma_start3A_225] : memref<1000000x64xf32, #tpu.memory_space<hbm>> -> memref<1x64xf32, #tpu.memory_space<hbm>>
      %dma_start3A_227 = tpu.memref_squeeze %dma_start3A_226 : memref<1x64xf32, #tpu.memory_space<hbm>> -> memref<64xf32, #tpu.memory_space<hbm>>
      tpu.enqueue_dma source(%dma_start3A_227 : memref<64xf32, #tpu.memory_space<hbm>>) target(%dma_start3A_224 : memref<64xf32, #tpu.memory_space<vmem>>) target_semaphore(%arg9 : memref<!tpu.dma_semaphore, #tpu.memory_space<semaphore_mem>>)
      %mul3A_228 = arith.constant 16 : i32
      %mul3A_229 = arith.muli %scan3A_60, %mul3A_228 : i32
      %add3A_230 = arith.constant 9 : i32
      %add3A_231 = arith.addi %mul3A_229, %add3A_230 : i32
      %slice3A_232 = vector.extract_strided_slice %get3A_67 {offsets = [9], sizes = [1], strides = [1]} : vector<16xi32> to vector<1xi32>
      %squeeze3A_233 = vector.extract %slice3A_232[0] : i32 from vector<1xi32>
      %dma_start3A_234 = arith.constant 0 : i32
      %dma_start3A_235 = tpu.memref_slice %arg7[%add3A_231, %dma_start3A_234] : memref<512x64xf32, #tpu.memory_space<vmem>> -> memref<1x64xf32, #tpu.memory_space<vmem>>
      %dma_start3A_236 = tpu.memref_squeeze %dma_start3A_235 : memref<1x64xf32, #tpu.memory_space<vmem>> -> memref<64xf32, #tpu.memory_space<vmem>>
      %dma_start3A_237 = arith.constant 0 : i32
      %dma_start3A_238 = tpu.memref_slice %arg4[%squeeze3A_233, %dma_start3A_237] : memref<1000000x64xf32, #tpu.memory_space<hbm>> -> memref<1x64xf32, #tpu.memory_space<hbm>>
      %dma_start3A_239 = tpu.memref_squeeze %dma_start3A_238 : memref<1x64xf32, #tpu.memory_space<hbm>> -> memref<64xf32, #tpu.memory_space<hbm>>
      %dma_start3A_240 = arith.constant 0 : i32
      %dma_start3A_241 = tpu.memref_slice %arg7[%add3A_231, %dma_start3A_240] : memref<512x64xf32, #tpu.memory_space<vmem>> -> memref<1x64xf32, #tpu.memory_space<vmem>>
      %dma_start3A_242 = tpu.memref_squeeze %dma_start3A_241 : memref<1x64xf32, #tpu.memory_space<vmem>> -> memref<64xf32, #tpu.memory_space<vmem>>
      %dma_start3A_243 = arith.constant 0 : i32
      %dma_start3A_244 = tpu.memref_slice %arg4[%squeeze3A_233, %dma_start3A_243] : memref<1000000x64xf32, #tpu.memory_space<hbm>> -> memref<1x64xf32, #tpu.memory_space<hbm>>
      %dma_start3A_245 = tpu.memref_squeeze %dma_start3A_244 : memref<1x64xf32, #tpu.memory_space<hbm>> -> memref<64xf32, #tpu.memory_space<hbm>>
      tpu.enqueue_dma source(%dma_start3A_245 : memref<64xf32, #tpu.memory_space<hbm>>) target(%dma_start3A_242 : memref<64xf32, #tpu.memory_space<vmem>>) target_semaphore(%arg9 : memref<!tpu.dma_semaphore, #tpu.memory_space<semaphore_mem>>)
      %mul3A_246 = arith.constant 16 : i32
      %mul3A_247 = arith.muli %scan3A_60, %mul3A_246 : i32
      %add3A_248 = arith.constant 10 : i32
      %add3A_249 = arith.addi %mul3A_247, %add3A_248 : i32
      %slice3A_250 = vector.extract_strided_slice %get3A_67 {offsets = [10], sizes = [1], strides = [1]} : vector<16xi32> to vector<1xi32>
      %squeeze3A_251 = vector.extract %slice3A_250[0] : i32 from vector<1xi32>
      %dma_start3A_252 = arith.constant 0 : i32
      %dma_start3A_253 = tpu.memref_slice %arg7[%add3A_249, %dma_start3A_252] : memref<512x64xf32, #tpu.memory_space<vmem>> -> memref<1x64xf32, #tpu.memory_space<vmem>>
      %dma_start3A_254 = tpu.memref_squeeze %dma_start3A_253 : memref<1x64xf32, #tpu.memory_space<vmem>> -> memref<64xf32, #tpu.memory_space<vmem>>
      %dma_start3A_255 = arith.constant 0 : i32
      %dma_start3A_256 = tpu.memref_slice %arg4[%squeeze3A_251, %dma_start3A_255] : memref<1000000x64xf32, #tpu.memory_space<hbm>> -> memref<1x64xf32, #tpu.memory_space<hbm>>
      %dma_start3A_257 = tpu.memref_squeeze %dma_start3A_256 : memref<1x64xf32, #tpu.memory_space<hbm>> -> memref<64xf32, #tpu.memory_space<hbm>>
      %dma_start3A_258 = arith.constant 0 : i32
      %dma_start3A_259 = tpu.memref_slice %arg7[%add3A_249, %dma_start3A_258] : memref<512x64xf32, #tpu.memory_space<vmem>> -> memref<1x64xf32, #tpu.memory_space<vmem>>
      %dma_start3A_260 = tpu.memref_squeeze %dma_start3A_259 : memref<1x64xf32, #tpu.memory_space<vmem>> -> memref<64xf32, #tpu.memory_space<vmem>>
      %dma_start3A_261 = arith.constant 0 : i32
      %dma_start3A_262 = tpu.memref_slice %arg4[%squeeze3A_251, %dma_start3A_261] : memref<1000000x64xf32, #tpu.memory_space<hbm>> -> memref<1x64xf32, #tpu.memory_space<hbm>>
      %dma_start3A_263 = tpu.memref_squeeze %dma_start3A_262 : memref<1x64xf32, #tpu.memory_space<hbm>> -> memref<64xf32, #tpu.memory_space<hbm>>
      tpu.enqueue_dma source(%dma_start3A_263 : memref<64xf32, #tpu.memory_space<hbm>>) target(%dma_start3A_260 : memref<64xf32, #tpu.memory_space<vmem>>) target_semaphore(%arg9 : memref<!tpu.dma_semaphore, #tpu.memory_space<semaphore_mem>>)
      %mul3A_264 = arith.constant 16 : i32
      %mul3A_265 = arith.muli %scan3A_60, %mul3A_264 : i32
      %add3A_266 = arith.constant 11 : i32
      %add3A_267 = arith.addi %mul3A_265, %add3A_266 : i32
      %slice3A_268 = vector.extract_strided_slice %get3A_67 {offsets = [11], sizes = [1], strides = [1]} : vector<16xi32> to vector<1xi32>
      %squeeze3A_269 = vector.extract %slice3A_268[0] : i32 from vector<1xi32>
      %dma_start3A_270 = arith.constant 0 : i32
      %dma_start3A_271 = tpu.memref_slice %arg7[%add3A_267, %dma_start3A_270] : memref<512x64xf32, #tpu.memory_space<vmem>> -> memref<1x64xf32, #tpu.memory_space<vmem>>
      %dma_start3A_272 = tpu.memref_squeeze %dma_start3A_271 : memref<1x64xf32, #tpu.memory_space<vmem>> -> memref<64xf32, #tpu.memory_space<vmem>>
      %dma_start3A_273 = arith.constant 0 : i32
      %dma_start3A_274 = tpu.memref_slice %arg4[%squeeze3A_269, %dma_start3A_273] : memref<1000000x64xf32, #tpu.memory_space<hbm>> -> memref<1x64xf32, #tpu.memory_space<hbm>>
      %dma_start3A_275 = tpu.memref_squeeze %dma_start3A_274 : memref<1x64xf32, #tpu.memory_space<hbm>> -> memref<64xf32, #tpu.memory_space<hbm>>
      %dma_start3A_276 = arith.constant 0 : i32
      %dma_start3A_277 = tpu.memref_slice %arg7[%add3A_267, %dma_start3A_276] : memref<512x64xf32, #tpu.memory_space<vmem>> -> memref<1x64xf32, #tpu.memory_space<vmem>>
      %dma_start3A_278 = tpu.memref_squeeze %dma_start3A_277 : memref<1x64xf32, #tpu.memory_space<vmem>> -> memref<64xf32, #tpu.memory_space<vmem>>
      %dma_start3A_279 = arith.constant 0 : i32
      %dma_start3A_280 = tpu.memref_slice %arg4[%squeeze3A_269, %dma_start3A_279] : memref<1000000x64xf32, #tpu.memory_space<hbm>> -> memref<1x64xf32, #tpu.memory_space<hbm>>
      %dma_start3A_281 = tpu.memref_squeeze %dma_start3A_280 : memref<1x64xf32, #tpu.memory_space<hbm>> -> memref<64xf32, #tpu.memory_space<hbm>>
      tpu.enqueue_dma source(%dma_start3A_281 : memref<64xf32, #tpu.memory_space<hbm>>) target(%dma_start3A_278 : memref<64xf32, #tpu.memory_space<vmem>>) target_semaphore(%arg9 : memref<!tpu.dma_semaphore, #tpu.memory_space<semaphore_mem>>)
      %mul3A_282 = arith.constant 16 : i32
      %mul3A_283 = arith.muli %scan3A_60, %mul3A_282 : i32
      %add3A_284 = arith.constant 12 : i32
      %add3A_285 = arith.addi %mul3A_283, %add3A_284 : i32
      %slice3A_286 = vector.extract_strided_slice %get3A_67 {offsets = [12], sizes = [1], strides = [1]} : vector<16xi32> to vector<1xi32>
      %squeeze3A_287 = vector.extract %slice3A_286[0] : i32 from vector<1xi32>
      %dma_start3A_288 = arith.constant 0 : i32
      %dma_start3A_289 = tpu.memref_slice %arg7[%add3A_285, %dma_start3A_288] : memref<512x64xf32, #tpu.memory_space<vmem>> -> memref<1x64xf32, #tpu.memory_space<vmem>>
      %dma_start3A_290 = tpu.memref_squeeze %dma_start3A_289 : memref<1x64xf32, #tpu.memory_space<vmem>> -> memref<64xf32, #tpu.memory_space<vmem>>
      %dma_start3A_291 = arith.constant 0 : i32
      %dma_start3A_292 = tpu.memref_slice %arg4[%squeeze3A_287, %dma_start3A_291] : memref<1000000x64xf32, #tpu.memory_space<hbm>> -> memref<1x64xf32, #tpu.memory_space<hbm>>
      %dma_start3A_293 = tpu.memref_squeeze %dma_start3A_292 : memref<1x64xf32, #tpu.memory_space<hbm>> -> memref<64xf32, #tpu.memory_space<hbm>>
      %dma_start3A_294 = arith.constant 0 : i32
      %dma_start3A_295 = tpu.memref_slice %arg7[%add3A_285, %dma_start3A_294] : memref<512x64xf32, #tpu.memory_space<vmem>> -> memref<1x64xf32, #tpu.memory_space<vmem>>
      %dma_start3A_296 = tpu.memref_squeeze %dma_start3A_295 : memref<1x64xf32, #tpu.memory_space<vmem>> -> memref<64xf32, #tpu.memory_space<vmem>>
      %dma_start3A_297 = arith.constant 0 : i32
      %dma_start3A_298 = tpu.memref_slice %arg4[%squeeze3A_287, %dma_start3A_297] : memref<1000000x64xf32, #tpu.memory_space<hbm>> -> memref<1x64xf32, #tpu.memory_space<hbm>>
      %dma_start3A_299 = tpu.memref_squeeze %dma_start3A_298 : memref<1x64xf32, #tpu.memory_space<hbm>> -> memref<64xf32, #tpu.memory_space<hbm>>
      tpu.enqueue_dma source(%dma_start3A_299 : memref<64xf32, #tpu.memory_space<hbm>>) target(%dma_start3A_296 : memref<64xf32, #tpu.memory_space<vmem>>) target_semaphore(%arg9 : memref<!tpu.dma_semaphore, #tpu.memory_space<semaphore_mem>>)
      %mul3A_300 = arith.constant 16 : i32
      %mul3A_301 = arith.muli %scan3A_60, %mul3A_300 : i32
      %add3A_302 = arith.constant 13 : i32
      %add3A_303 = arith.addi %mul3A_301, %add3A_302 : i32
      %slice3A_304 = vector.extract_strided_slice %get3A_67 {offsets = [13], sizes = [1], strides = [1]} : vector<16xi32> to vector<1xi32>
      %squeeze3A_305 = vector.extract %slice3A_304[0] : i32 from vector<1xi32>
      %dma_start3A_306 = arith.constant 0 : i32
      %dma_start3A_307 = tpu.memref_slice %arg7[%add3A_303, %dma_start3A_306] : memref<512x64xf32, #tpu.memory_space<vmem>> -> memref<1x64xf32, #tpu.memory_space<vmem>>
      %dma_start3A_308 = tpu.memref_squeeze %dma_start3A_307 : memref<1x64xf32, #tpu.memory_space<vmem>> -> memref<64xf32, #tpu.memory_space<vmem>>
      %dma_start3A_309 = arith.constant 0 : i32
      %dma_start3A_310 = tpu.memref_slice %arg4[%squeeze3A_305, %dma_start3A_309] : memref<1000000x64xf32, #tpu.memory_space<hbm>> -> memref<1x64xf32, #tpu.memory_space<hbm>>
      %dma_start3A_311 = tpu.memref_squeeze %dma_start3A_310 : memref<1x64xf32, #tpu.memory_space<hbm>> -> memref<64xf32, #tpu.memory_space<hbm>>
      %dma_start3A_312 = arith.constant 0 : i32
      %dma_start3A_313 = tpu.memref_slice %arg7[%add3A_303, %dma_start3A_312] : memref<512x64xf32, #tpu.memory_space<vmem>> -> memref<1x64xf32, #tpu.memory_space<vmem>>
      %dma_start3A_314 = tpu.memref_squeeze %dma_start3A_313 : memref<1x64xf32, #tpu.memory_space<vmem>> -> memref<64xf32, #tpu.memory_space<vmem>>
      %dma_start3A_315 = arith.constant 0 : i32
      %dma_start3A_316 = tpu.memref_slice %arg4[%squeeze3A_305, %dma_start3A_315] : memref<1000000x64xf32, #tpu.memory_space<hbm>> -> memref<1x64xf32, #tpu.memory_space<hbm>>
      %dma_start3A_317 = tpu.memref_squeeze %dma_start3A_316 : memref<1x64xf32, #tpu.memory_space<hbm>> -> memref<64xf32, #tpu.memory_space<hbm>>
      tpu.enqueue_dma source(%dma_start3A_317 : memref<64xf32, #tpu.memory_space<hbm>>) target(%dma_start3A_314 : memref<64xf32, #tpu.memory_space<vmem>>) target_semaphore(%arg9 : memref<!tpu.dma_semaphore, #tpu.memory_space<semaphore_mem>>)
      %mul3A_318 = arith.constant 16 : i32
      %mul3A_319 = arith.muli %scan3A_60, %mul3A_318 : i32
      %add3A_320 = arith.constant 14 : i32
      %add3A_321 = arith.addi %mul3A_319, %add3A_320 : i32
      %slice3A_322 = vector.extract_strided_slice %get3A_67 {offsets = [14], sizes = [1], strides = [1]} : vector<16xi32> to vector<1xi32>
      %squeeze3A_323 = vector.extract %slice3A_322[0] : i32 from vector<1xi32>
      %dma_start3A_324 = arith.constant 0 : i32
      %dma_start3A_325 = tpu.memref_slice %arg7[%add3A_321, %dma_start3A_324] : memref<512x64xf32, #tpu.memory_space<vmem>> -> memref<1x64xf32, #tpu.memory_space<vmem>>
      %dma_start3A_326 = tpu.memref_squeeze %dma_start3A_325 : memref<1x64xf32, #tpu.memory_space<vmem>> -> memref<64xf32, #tpu.memory_space<vmem>>
      %dma_start3A_327 = arith.constant 0 : i32
      %dma_start3A_328 = tpu.memref_slice %arg4[%squeeze3A_323, %dma_start3A_327] : memref<1000000x64xf32, #tpu.memory_space<hbm>> -> memref<1x64xf32, #tpu.memory_space<hbm>>
      %dma_start3A_329 = tpu.memref_squeeze %dma_start3A_328 : memref<1x64xf32, #tpu.memory_space<hbm>> -> memref<64xf32, #tpu.memory_space<hbm>>
      %dma_start3A_330 = arith.constant 0 : i32
      %dma_start3A_331 = tpu.memref_slice %arg7[%add3A_321, %dma_start3A_330] : memref<512x64xf32, #tpu.memory_space<vmem>> -> memref<1x64xf32, #tpu.memory_space<vmem>>
      %dma_start3A_332 = tpu.memref_squeeze %dma_start3A_331 : memref<1x64xf32, #tpu.memory_space<vmem>> -> memref<64xf32, #tpu.memory_space<vmem>>
      %dma_start3A_333 = arith.constant 0 : i32
      %dma_start3A_334 = tpu.memref_slice %arg4[%squeeze3A_323, %dma_start3A_333] : memref<1000000x64xf32, #tpu.memory_space<hbm>> -> memref<1x64xf32, #tpu.memory_space<hbm>>
      %dma_start3A_335 = tpu.memref_squeeze %dma_start3A_334 : memref<1x64xf32, #tpu.memory_space<hbm>> -> memref<64xf32, #tpu.memory_space<hbm>>
      tpu.enqueue_dma source(%dma_start3A_335 : memref<64xf32, #tpu.memory_space<hbm>>) target(%dma_start3A_332 : memref<64xf32, #tpu.memory_space<vmem>>) target_semaphore(%arg9 : memref<!tpu.dma_semaphore, #tpu.memory_space<semaphore_mem>>)
      %mul3A_336 = arith.constant 16 : i32
      %mul3A_337 = arith.muli %scan3A_60, %mul3A_336 : i32
      %add3A_338 = arith.constant 15 : i32
      %add3A_339 = arith.addi %mul3A_337, %add3A_338 : i32
      %slice3A_340 = vector.extract_strided_slice %get3A_67 {offsets = [15], sizes = [1], strides = [1]} : vector<16xi32> to vector<1xi32>
      %squeeze3A_341 = vector.extract %slice3A_340[0] : i32 from vector<1xi32>
      %dma_start3A_342 = arith.constant 0 : i32
      %dma_start3A_343 = tpu.memref_slice %arg7[%add3A_339, %dma_start3A_342] : memref<512x64xf32, #tpu.memory_space<vmem>> -> memref<1x64xf32, #tpu.memory_space<vmem>>
      %dma_start3A_344 = tpu.memref_squeeze %dma_start3A_343 : memref<1x64xf32, #tpu.memory_space<vmem>> -> memref<64xf32, #tpu.memory_space<vmem>>
      %dma_start3A_345 = arith.constant 0 : i32
      %dma_start3A_346 = tpu.memref_slice %arg4[%squeeze3A_341, %dma_start3A_345] : memref<1000000x64xf32, #tpu.memory_space<hbm>> -> memref<1x64xf32, #tpu.memory_space<hbm>>
      %dma_start3A_347 = tpu.memref_squeeze %dma_start3A_346 : memref<1x64xf32, #tpu.memory_space<hbm>> -> memref<64xf32, #tpu.memory_space<hbm>>
      %dma_start3A_348 = arith.constant 0 : i32
      %dma_start3A_349 = tpu.memref_slice %arg7[%add3A_339, %dma_start3A_348] : memref<512x64xf32, #tpu.memory_space<vmem>> -> memref<1x64xf32, #tpu.memory_space<vmem>>
      %dma_start3A_350 = tpu.memref_squeeze %dma_start3A_349 : memref<1x64xf32, #tpu.memory_space<vmem>> -> memref<64xf32, #tpu.memory_space<vmem>>
      %dma_start3A_351 = arith.constant 0 : i32
      %dma_start3A_352 = tpu.memref_slice %arg4[%squeeze3A_341, %dma_start3A_351] : memref<1000000x64xf32, #tpu.memory_space<hbm>> -> memref<1x64xf32, #tpu.memory_space<hbm>>
      %dma_start3A_353 = tpu.memref_squeeze %dma_start3A_352 : memref<1x64xf32, #tpu.memory_space<hbm>> -> memref<64xf32, #tpu.memory_space<hbm>>
      tpu.enqueue_dma source(%dma_start3A_353 : memref<64xf32, #tpu.memory_space<hbm>>) target(%dma_start3A_350 : memref<64xf32, #tpu.memory_space<vmem>>) target_semaphore(%arg9 : memref<!tpu.dma_semaphore, #tpu.memory_space<semaphore_mem>>)
    }
    %scan3A_35 = arith.constant 32 : i32
    %dma_wait3A_36 = arith.constant 0 : i32
    %dma_wait3A_37 = arith.constant 0 : i32
    %dma_wait3A_38 = tpu.memref_slice %arg4[%dma_wait3A_36, %dma_wait3A_37] : memref<1000000x64xf32, #tpu.memory_space<hbm>> -> memref<512x64xf32, #tpu.memory_space<hbm>>
    %dma_wait3A_39 = arith.constant 0 : i32
    %dma_wait3A_40 = arith.constant 0 : i32
    %dma_wait3A_41 = tpu.memref_slice %arg4[%dma_wait3A_39, %dma_wait3A_40] : memref<1000000x64xf32, #tpu.memory_space<hbm>> -> memref<512x64xf32, #tpu.memory_space<hbm>>
    tpu.wait_dma2 semaphore(%arg9 : memref<!tpu.dma_semaphore, #tpu.memory_space<semaphore_mem>>) src(%dma_wait3A_41 : memref<512x64xf32, #tpu.memory_space<hbm>>) dst(%arg7 : memref<512x64xf32, #tpu.memory_space<vmem>>)
    %scan3A_42 = arith.constant 0 : i32
    %scan3A_43 = arith.constant 0 : i32
    %scan3A_44 = arith.constant 512 : i32
    %scan3A_45 = arith.addi %scan3A_43, %scan3A_44 : i32
    %scan3A_46 = arith.constant 1 : i32
    scf.for %scan3A_60 = %scan3A_43 to %scan3A_45 step %scan3A_46  : i32 {
      %get3A_61 = arith.index_cast %scan3A_60 : i32 to index
      %get3A_62 = arith.constant 0 : index
      %get3A_63 = tpu.vector_load %arg7[%get3A_61, %get3A_62] {strides = array<i32>} : memref<512x64xf32, #tpu.memory_space<vmem>>, vector<1x16xf32>,
      %get3A_64 = vector.shape_cast %get3A_63 : vector<1x16xf32> to vector<16xf32>
      %mul3A_65 = arith.mulf %get3A_64, %get3A_2 : vector<16xf32>
      %swap3A = arith.index_cast %scan3A_60 : i32 to index
      %swap3A_66 = arith.constant 0 : index
      %swap3A_67 = tpu.vector_load %arg7[%swap3A, %swap3A_66] {strides = array<i32>} : memref<512x64xf32, #tpu.memory_space<vmem>>, vector<1x16xf32>,
      %swap3A_68 = vector.shape_cast %swap3A_67 : vector<1x16xf32> to vector<16xf32>
      %swap3A_69 = vector.shape_cast %mul3A_65 : vector<16xf32> to vector<1x16xf32>
      tpu.vector_store %arg7[%swap3A, %swap3A_66], %swap3A_69 {strides = array<i32>} : memref<512x64xf32, #tpu.memory_space<vmem>>, vector<1x16xf32>,
      %get3A_70 = arith.index_cast %scan3A_60 : i32 to index
      %get3A_71 = arith.constant 16 : index
      %get3A_72 = tpu.vector_load %arg7[%get3A_70, %get3A_71] {strides = array<i32>} : memref<512x64xf32, #tpu.memory_space<vmem>>, vector<1x16xf32>,
      %get3A_73 = vector.shape_cast %get3A_72 : vector<1x16xf32> to vector<16xf32>
      %mul3A_74 = arith.mulf %get3A_73, %get3A_2 : vector<16xf32>
      %swap3A_75 = arith.index_cast %scan3A_60 : i32 to index
      %swap3A_76 = arith.constant 16 : index
      %swap3A_77 = tpu.vector_load %arg7[%swap3A_75, %swap3A_76] {strides = array<i32>} : memref<512x64xf32, #tpu.memory_space<vmem>>, vector<1x16xf32>,
      %swap3A_78 = vector.shape_cast %swap3A_77 : vector<1x16xf32> to vector<16xf32>
      %swap3A_79 = vector.shape_cast %mul3A_74 : vector<16xf32> to vector<1x16xf32>
      tpu.vector_store %arg7[%swap3A_75, %swap3A_76], %swap3A_79 {strides = array<i32>} : memref<512x64xf32, #tpu.memory_space<vmem>>, vector<1x16xf32>,
      %get3A_80 = arith.index_cast %scan3A_60 : i32 to index
      %get3A_81 = arith.constant 32 : index
      %get3A_82 = tpu.vector_load %arg7[%get3A_80, %get3A_81] {strides = array<i32>} : memref<512x64xf32, #tpu.memory_space<vmem>>, vector<1x16xf32>,
      %get3A_83 = vector.shape_cast %get3A_82 : vector<1x16xf32> to vector<16xf32>
      %mul3A_84 = arith.mulf %get3A_83, %get3A_2 : vector<16xf32>
      %swap3A_85 = arith.index_cast %scan3A_60 : i32 to index
      %swap3A_86 = arith.constant 32 : index
      %swap3A_87 = tpu.vector_load %arg7[%swap3A_85, %swap3A_86] {strides = array<i32>} : memref<512x64xf32, #tpu.memory_space<vmem>>, vector<1x16xf32>,
      %swap3A_88 = vector.shape_cast %swap3A_87 : vector<1x16xf32> to vector<16xf32>
      %swap3A_89 = vector.shape_cast %mul3A_84 : vector<16xf32> to vector<1x16xf32>
      tpu.vector_store %arg7[%swap3A_85, %swap3A_86], %swap3A_89 {strides = array<i32>} : memref<512x64xf32, #tpu.memory_space<vmem>>, vector<1x16xf32>,
      %get3A_90 = arith.index_cast %scan3A_60 : i32 to index
      %get3A_91 = arith.constant 48 : index
      %get3A_92 = tpu.vector_load %arg7[%get3A_90, %get3A_91] {strides = array<i32>} : memref<512x64xf32, #tpu.memory_space<vmem>>, vector<1x16xf32>,
      %get3A_93 = vector.shape_cast %get3A_92 : vector<1x16xf32> to vector<16xf32>
      %mul3A_94 = arith.mulf %get3A_93, %get3A_2 : vector<16xf32>
      %swap3A_95 = arith.index_cast %scan3A_60 : i32 to index
      %swap3A_96 = arith.constant 48 : index
      %swap3A_97 = tpu.vector_load %arg7[%swap3A_95, %swap3A_96] {strides = array<i32>} : memref<512x64xf32, #tpu.memory_space<vmem>>, vector<1x16xf32>,
      %swap3A_98 = vector.shape_cast %swap3A_97 : vector<1x16xf32> to vector<16xf32>
      %swap3A_99 = vector.shape_cast %mul3A_94 : vector<16xf32> to vector<1x16xf32>
      tpu.vector_store %arg7[%swap3A_95, %swap3A_96], %swap3A_99 {strides = array<i32>} : memref<512x64xf32, #tpu.memory_space<vmem>>, vector<1x16xf32>,
    }
    %scan3A_47 = arith.constant 512 : i32
    %mul3A_48 = arith.constant 1024 : i32
    %mul3A_49 = arith.muli %add3A, %mul3A_48 : i32
    %add3A_50 = arith.constant 512 : i32
    %add3A_51 = arith.addi %mul3A_49, %add3A_50 : i32
    %dma_start3A_52 = arith.constant 0 : i32
    %dma_start3A_53 = tpu.memref_slice %arg5[%add3A_51, %dma_start3A_52] : memref<32768x64xf32, #tpu.memory_space<hbm>> -> memref<512x64xf32, #tpu.memory_space<hbm>>
    %dma_start3A_54 = arith.constant 0 : i32
    %dma_start3A_55 = tpu.memref_slice %arg5[%add3A_51, %dma_start3A_54] : memref<32768x64xf32, #tpu.memory_space<hbm>> -> memref<512x64xf32, #tpu.memory_space<hbm>>
    tpu.enqueue_dma source(%arg7 : memref<512x64xf32, #tpu.memory_space<vmem>>) target(%dma_start3A_55 : memref<512x64xf32, #tpu.memory_space<hbm>>) target_semaphore(%arg10 : memref<!tpu.dma_semaphore, #tpu.memory_space<semaphore_mem>>)
    %dma_wait3A_56 = arith.constant 0 : i32
    %dma_wait3A_57 = tpu.memref_slice %arg5[%add3A_51, %dma_wait3A_56] : memref<32768x64xf32, #tpu.memory_space<hbm>> -> memref<512x64xf32, #tpu.memory_space<hbm>>
    %dma_wait3A_58 = arith.constant 0 : i32
    %dma_wait3A_59 = tpu.memref_slice %arg5[%add3A_51, %dma_wait3A_58] : memref<32768x64xf32, #tpu.memory_space<hbm>> -> memref<512x64xf32, #tpu.memory_space<hbm>>
    tpu.wait_dma2 semaphore(%arg10 : memref<!tpu.dma_semaphore, #tpu.memory_space<semaphore_mem>>) src(%arg7 : memref<512x64xf32, #tpu.memory_space<vmem>>) dst(%dma_wait3A_59 : memref<512x64xf32, #tpu.memory_space<hbm>>)
    return
  }
}

</mosaic_0001>

<sc_bundles>
// kernel: kernel.3.cloned.1.call-start
scs
__scs_entry_jumppad:
0x0: {  	(pc) =	sbr.rel $0x88, $3  }
0x1: {  	(tag) =	ssettag $0x0;
	lr =	simm.s32 $0x1  }
0x2: {  	[smem:$0x3F9E] =	sst lr;
	_ =	strace $0xD0000000  }
0x3: {  	_ = 	snop  }
0x4: {  	_ = 	snop  }
0x5: {  	_ = 	snop  }
0x6: {  	_ = 	snop  }
0x7: {  	_ = 	snop  }
__scs_overlays_trampoline_lowered:
0x8: {  	[smem:$0x3FAD] =	sst s0  }
0x9: {  	[smem:$0x3FAE] =	sst s1  }
0xa: {  	[smem:$0x3FAF] =	sst s2  }
0xb: {  	[smem:$0x3FB0] =	sst s3  }
0xc: {  	[smem:$0x3FB1] =	sst s4  }
0xd: {  	[smem:$0x3FB2] =	sst s5  }
0xe: {  	[smem:$0x3FB3] =	sst s6  }
0xf: {  	[smem:$0x3FB4] =	sst s7  }
0x10: {  	[smem:$0x3FB5] =	sst s8  }
0x11: {  	[smem:$0x3FB6] =	sst s9;
	s0 =	simm.s32 @!p0 $0x0  }
0x12: {  	s1 =	sld [smem:$0x3F9C];
	s0 =	simm.s32 @p0 $0x1  }
0x13: {  	[smem:$0x3FB7] =	sst s0;
	s0 =	simm.s32 @!p1 $0x0  }
0x14: {  	s2 =	sld [smem:$0x3F9B];
	s0 =	simm.s32 @p1 $0x1  }
0x15: {  	[smem:$0x3FB8] =	sst s0;
	s0 =	simm.s32 @!p2 $0x0  }
0x16: {  	s3 =	sld [smem:$0x3FDB];
	s0 =	simm.s32 @p2 $0x1  }
0x17: {  	s4 =	simm.s32 $0x1BF5;
	[smem:$0x3FBA] =	sst s0  }
0x18: {  	s0 =	sld [smem:$0x3F9D];
	_ =	swait.ge [sflag:s4], $0x0  }
0x19: {  	s7 =	sld [smem:$0x3F9E]  }
0x1a: {  	s8 =	sadd.s32 $0xFFFFE003, lr  }
0x1b: {  	s9 =	sadd.s32 $0xFFFFFEF7, lr;
	s5 =	simm.s32 $0xFFFFFFFF;
	p2 =	slt.u32 s8, $0xFFFFF086  }
0x1c: {  	p1 =	slt.u32 s9, $0xF7A;
	s5 =	simm.s32 @!p2 $0x0  }
0x1d: {  	s5 =	simm.s32 @p1 $0x1;
	p0 =	seq.s32 s7, s2  }
0x1e: {  	s7 =	smul.u32 @!p0 $0xF7A, s2;
	p2 =	seq.s32 @!p0 s5, $0x0  }
0x1f: {  	s9 =	smul.u32 $0xF7A, s1;
	s8 =	simm.s32 @!p0 $0x1BF5;
	p2 =	por !p2, p0  }
0x20: {  	[sflag:s8] =	ssyncset.s32 @!p0 $0xFFFFF086;
	s6 =	sadd.s32 @!p0 s3, s7;
	s7 =	simm.s32 @!p0 $0x108  }
0x21: {  	s3 =	sadd.s32 s3, s9;
	s6 =	sadd.s32 @!p0 $0x88, s6;
	s7 =	simm.s32 @p2 $0x1082  }
0x22: {  	[simem:s7], [sflag:s8] =	dma.local @!p0 [hbm:s6], $0xF7A  }
0x23: {  	s9 =	sor.u32 $0xD0000000, s2;
	s6 =	simm.s32 $0x108;
	_ =	swait.ge @!p0 [sflag:s8], $0x0  }
0x24: {  	s3 =	sadd.s32 $0x88, s3;
	s6 =	simm.s32 @!p1 $0x1082;
	[sflag:s4] =	ssyncset.s32 $0xFFFFF086  }
0x25: {  	[simem:s6], [sflag:s4] =	dma.local [hbm:s3], $0xF7A  }
0x26: {  	[smem:$0x3F9E] =	sst s1;
	(tag) =	ssettag s2;
	_ =	strace s9  }
0x27: {  	s1 =	sld [smem:$0x3FAE]  }
0x28: {  	s2 =	sld [smem:$0x3FAF]  }
0x29: {  	s4 =	sld [smem:$0x3FB1]  }
0x2a: {  	p0 =	seq.s32 s5, $0x0;
	s5 =	sld [smem:$0x3FB2]  }
0x2b: {  	s6 =	sld [smem:$0x3FB3]  }
0x2c: {  	s7 =	sld [smem:$0x3FB4]  }
0x2d: {  	s3 =	simm.s32 $0x108;
	s8 =	sld [smem:$0x3FB5]  }
0x2e: {  	s3 =	simm.s32 @!p0 $0x1082;
	s9 =	sld [smem:$0x3FB6]  }
0x2f: {  	lr =	sadd.s32 s0, s3;
	s0 =	sld [smem:$0x3FAD]  }
0x30: {  	s3 =	sld [smem:$0x3FB0]  }
0x31: {  	[smem:$0x3FB9] =	sst s10  }
0x32: {  	s10 =	sld [smem:$0x3FB7];
	_ =	sdelay $0x3  }
0x33: {  	p0 =	seq.s32 s10, $0x1;
	s10 =	sld [smem:$0x3FB9];
	_ =	sdelay $0x3  }
0x34: {  	[smem:$0x3FB9] =	sst s10  }
0x35: {  	s10 =	sld [smem:$0x3FB8];
	_ =	sdelay $0x3  }
0x36: {  	p1 =	seq.s32 s10, $0x1;
	s10 =	sld [smem:$0x3FB9];
	_ =	sdelay $0x3  }
0x37: {  	[smem:$0x3FB9] =	sst s10  }
0x38: {  	s10 =	sld [smem:$0x3FBA]  }
0x39: {  	_ = 	snop;
	(pc) =	sbr.ind lr, $3  }
0x3a: {  	_ = 	snop  }
0x3b: {  	_ = 	snop  }
0x3c: {  	p2 =	seq.s32 s10, $0x1;
	s10 =	sld [smem:$0x3FB9]  }
0x3d: {  	_ =	shalt  }
0x3e: {  	_ =	shalt  }
0x3f: {  	_ =	shalt  }
0x40: {  	_ =	shalt  }
0x41: {  	_ =	shalt  }
0x42: {  	_ =	shalt  }
0x43: {  	_ =	shalt  }
0x44: {  	_ =	shalt  }
0x45: {  	_ =	shalt  }
0x46: {  	_ =	shalt  }
0x47: {  	_ =	shalt  }
0x48: {  	_ =	shalt  }
0x49: {  	_ =	shalt  }
0x4a: {  	_ =	shalt  }
0x4b: {  	_ =	shalt  }
0x4c: {  	_ =	shalt  }
0x4d: {  	_ =	shalt  }
0x4e: {  	_ =	shalt  }
0x4f: {  	_ =	shalt  }
0x50: {  	_ =	shalt  }
0x51: {  	_ =	shalt  }
0x52: {  	_ =	shalt  }
0x53: {  	_ =	shalt  }
0x54: {  	_ =	shalt  }
0x55: {  	_ =	shalt  }
0x56: {  	_ =	shalt  }
0x57: {  	_ =	shalt  }
0x58: {  	_ =	shalt  }
0x59: {  	_ =	shalt  }
0x5a: {  	_ =	shalt  }
0x5b: {  	_ =	shalt  }
0x5c: {  	_ =	shalt  }
0x5d: {  	_ =	shalt  }
0x5e: {  	_ =	shalt  }
0x5f: {  	_ =	shalt  }
0x60: {  	_ =	shalt  }
0x61: {  	_ =	shalt  }
0x62: {  	_ =	shalt  }
0x63: {  	_ =	shalt  }
0x64: {  	_ =	shalt  }
0x65: {  	_ =	shalt  }
0x66: {  	_ =	shalt  }
0x67: {  	_ =	shalt  }
0x68: {  	_ =	shalt  }
0x69: {  	_ =	shalt  }
0x6a: {  	_ =	shalt  }
0x6b: {  	_ =	shalt  }
0x6c: {  	_ =	shalt  }
0x6d: {  	_ =	shalt  }
0x6e: {  	_ =	shalt  }
0x6f: {  	_ =	shalt  }
0x70: {  	_ =	shalt  }
0x71: {  	_ =	shalt  }
0x72: {  	_ =	shalt  }
0x73: {  	_ =	shalt  }
0x74: {  	_ =	shalt  }
0x75: {  	_ =	shalt  }
0x76: {  	_ =	shalt  }
0x77: {  	_ =	shalt  }
0x78: {  	_ =	shalt  }
0x79: {  	_ =	shalt  }
0x7a: {  	_ =	shalt  }
0x7b: {  	_ =	shalt  }
0x7c: {  	_ =	shalt  }
0x7d: {  	_ =	shalt  }
0x7e: {  	_ =	shalt  }
0x7f: {  	_ =	shalt  }
0x80: {  	_ =	shalt  }
0x81: {  	_ =	shalt  }
0x82: {  	_ =	shalt  }
0x83: {  	_ =	shalt  }
0x84: {  	_ =	shalt  }
0x85: {  	_ =	shalt  }
0x86: {  	_ =	shalt  }
0x87: {  	_ =	shalt  }
.Lfunc_end0:
.L_simem_size_0:
called_computation_lowered:
.L_overlay_start_0:
0x88: {  	s2 =	sld [smem:$0x3FD9]  }
0x89: {  	s3 =	sld [smem:$0x3FFE];
	_ =	sdelay $0x1  }
0x8a: {  	s1 =	srdreg.scid  }
0x8b: {  	s0 =	sand.u32 $0x1, s1  }
0x8c: {  	s17 =	sshll.u32 s0, $0xA;
	s2 =	sadd.s32 s3, s2  }
0x8d: {  	s2 =	sadd.s32 s2, s17  }
0x8e: {  	[smem:$0x3FC5] =	sst s2  }
0x8f: {  	_ = 	snop  }
0x90: {  	s2 =	sld [smem:$0x3FD0];
	(tm) =	ssettm $0x1  }
0x91: {  	s18 =	sld [smem:$0x3FFB];
	_ =	sdelay $0x3  }
0x92: {  	_ =	strace s18  }
0x93: {  	s3 =	sld [smem:$0x3FFC];
	_ =	sdelay $0x3  }
0x94: {  	_ =	strace s3  }
0x95: {  	s3 =	sld [smem:$0x3FFD];
	_ =	sdelay $0x3  }
0x96: {  	_ =	strace s3  }
0x97: {  	_ =	strace $0x8FFFFFFF  }
0x98: {  	s19 =	sld [smem:$0x3FDB];
	_ =	sdelay $0x1  }
0x99: {  	s4 =	simm.s32 $_scs_section_size  }
0x9a: {  	s5 =	simm.s32 $_size__tile_overlayer_lowered;
	s6 =	simm.s32 $_tile_overlayer_lowered  }
0x9b: {  	s22 =	simm.s32 $0x1BFF;
	s21 =	sshll.u32 s6, $0x1;
	s3 =	sadd.s32 s4, s19  }
0x9c: {  	s7 =	simm.s32 $0x0;
	s20 =	sshll.u32 s5, $0x1;
	s5 =	sadd.s32 s21, s3  }
0x9d: {  	[timem:s7], [sflag:s22] =	dma.local [hbm:s5], s20  }
0x9e: {  	_ =	swait.ge [sflag:s22], s20  }
0x9f: {  	s4 =	ssub.s32 $0x0, s20;
	[sflag:s22] =	ssyncset.done $0x0  }
0xa0: {  	[sflag:s22] =	ssyncadd.s32 s4;
	_ =	sdelay $0x1  }
0xa1: {  	s23 =	simm.s32 $0x1B8B  }
0xa2: {  	_ =	swait.ge [sflag:s23], $0x1  }
0xa3: {  	[sflag:s23] =	ssyncset.done $0x0  }
0xa4: {  	s25 =	simm.s32 $0x1B8E;
	s24 =	sld [smem:$0x3FFE];
	[sflag:s23] =	ssyncadd.s32 $0xFFFFFFFF  }
0xa5: {  	s26 =	simm.s32 $execute0_lowered;
	[smem:$0x3FD2] =	sst s25  }
0xa6: {  	s5 =	sshll.u32 s26, $0x1;
	_ =	strace $0x80000046;
	[dreg:$0x1] =	wrdreg $0xFFFFFFFF  }
0xa7: {  	s28 =	simm.s32 $_size_execute0_lowered;
	s3 =	sadd.s32 s3, s5;
	[dreg:$0x0] =	wrdreg $0x0  }
0xa8: {  	s5 =	sshll.u32 s28, $0x1;
	[dreg:$0x2] =	wrdreg s3  }
0xa9: {  	[dreg:$0x3] =	wrdreg s5  }
0xaa: {  	[dreg:$0x4] =	wrdreg $0xC0  }
0xab: {  	_ =	task [dreg:s7], $0x5FFFF  }
0xac: {  	[dreg:$0x1] =	wrdreg $0xFFFFFFFF  }
0xad: {  	[dreg:$0x0] =	wrdreg $0x60  }
0xae: {  	[dreg:$0x2] =	wrdreg s2  }
0xaf: {  	[dreg:$0x3] =	wrdreg s24  }
0xb0: {  	[dreg:$0x4] =	wrdreg $0x9  }
0xb1: {  	_ =	task.clear_ibuf [dreg:s7], $0x5FFFF;
	_ =	strace $0x90000046  }
0xb2: {  	s29 =	simm.s32 $0x9;
	_ =	strace $0x80000048  }
0xb3: {  	_ =	swait.ge [sflag:s29], $0x1  }
0xb4: {  	[sflag:s29] =	ssyncadd.s32 $0xFFFFFFFF  }
0xb5: {  	_ =	strace $0x90000048  }
0xb6: {  	_ =	sfence  }
0xb7: {  	s30 =	sld [smem:$0x0];
	_ =	sdelay $0x2  }
0xb8: {  	s31 =	sshll.u32 s1, $0xD;
	s1 =	sshrl.u32 s1, $0x2  }
0xb9: {  	s3 =	sand.u32 $0x4000, s31;
	s1 =	sadd.s32 s1, s30  }
0xba: {  	s0 =	sor.u32 s3, s0;
	s1 =	sshll.u32 s1, $0x11  }
0xbb: {  	s0 =	sor.u32 s1, s0  }
0xbc: {  	s0 =	sadd.s32 $0x8F2B, s0  }
0xbd: {  	[sflag:s0] =	ssyncadd.remote.s32 $0x1  }
0xbe: {  	_ =	sfence.sel $0xFFFF  }
0xbf: {  	[dreg:$0x0] =	wrdreg $0xFFFFFFFF;
	(pc) =	sbr.abs _section_cstart, $3  }
0xc0: {  	[dreg:$0x1] =	wrdreg $0xFFFFFFFF  }
0xc1: {  	_ =	task.clear_ibuf [dreg:s7], $0x2FFFF;
	_ =	strace $0x9FFFFFFF  }
0xc2: {  	(tm) =	ssettm $0x7FFFFFFF  }
0xc3: {  	_ =	shalt  }
tec
execute0_lowered:
.L_overlay_start_1:
0x0: {  	(tag) =	ssettag $0x1  }
0x1: {  	s5 =	rddreg [dreg:$0x0]  }
0x2: {  	s6 =	rddreg [dreg:$0x1]  }
0x3: {  	s2 =	simm.s32 $0x0;
	s3 =	srdreg.scid;
	s0 =	stileid.u32  }
0x4: {  	s11 =	simm.s32 $0x3;
	s13 =	simm.s32 $0x1;
	s14 =	simm.s32 $0x2  }
0x5: {  	s15 =	simm.s32 $0x0;
	[smem:$0x7FF] =	sst s2;
	s7 =	sand.u32 $0x1, s3  }
0x6: {  	s30 =	sshll.u32 s0, $0x1;
	s1 =	sadd.s32 $0xF42800, s6;
	s4 =	sadd.s32 $0x400, s6  }
0x7: {  	s31 =	sshll.u32 s0, $0x8;
	_ =	strace $0x80000047;
	s8 =	sor.u32 s7, s30  }
0x8: {  	[dreg:$0x3] =	wrdreg s1;
	s7 =	ssub.s32 $0x2, s7;
	s9 =	sshll.u32 s8, $0xE  }
0x9: {  	s8 =	sshll.u32 s8, $0x4;
	s10 =	sshrl.u32 s7, $0x1;
	s9 =	sadd.s32 s9, s6  }
0xa: {  	s6 =	sand.u32 $0xC00, s31;
	s8 =	sand.u32 $0x70, s8;
	s10 =	ssub.s32 s7, s10  }
0xb: {  	s5 =	sadd.s32 s5, s6;
	s6 =	sadd.s32 $0xF42A00, s9;
	s7 =	sadd.s32 $0xF44A00, s9  }
0xc: {  	s5 =	sadd.s32 s8, s5;
	s8 =	smax.u32 s10, $0x1;
	s10 =	simm.s32 $0x400  }
.LBB2_1:
0xd: {  	s0 =	simm.s32 $0x80  }
0xe: {  	[tilespmem:s2], [sflag:$0x3] =	stream.strided.gather [hbm4b:s5+s0], $0x400, s10, s0, $0x38;
	[tilespmem:$0x10480] =	vst v63  }
0xf: {  	_ =	swait.ge [sflag:s11], $0x400  }
0x10: {  	[sflag:s11] =	ssyncset.done $0x0  }
0x11: {  	s1 =	simm.s32 $0x10400;
	s31 =	rddreg [dreg:$0x3];
	[sflag:s11] =	ssyncadd.s32 $0xFFFFFC00  }
0x12: {  	[tilespmem:s1], [sflag:$0x3] =	stream.linear.gather [hbm4b:s31+s2], $0x80, $0x38;
	[tilespmem:$0x10480] =	vst v63  }
0x13: {  	_ =	swait.ge [sflag:s11], $0x80  }
0x14: {  	[sflag:s11] =	ssyncset.done $0x0  }
0x15: {  	[sflag:s11] =	ssyncadd.s32 $0xFFFFFF80  }
0x16: {  	v0 =	vld [tilespmem:s2+$0x0];
	_ =	sdelay $0x4  }
0x17: {  	v1 =	vshll.u32 v0, $0x4  }
0x18: {  	(v2sf) =	vpush v1, $0x0  }
0x19: {  	(v2sf) =	vpush v1, $0x1  }
0x1a: {  	(v2sf) =	vpush v1, $0x2;
	_ =	sdelay $0x1  }
0x1b: {  	(v2sf) =	vpush v1, $0x4;
	_ =	sdelay $0x1  }
0x1c: {  	v0 =	vld [tilespmem:$0x10400];
	(v2sf) =	vpush v1, $0x3  }
0x1d: {  	(v2sf) =	vpush v1, $0x5  }
0x1e: {  	s17 =	simm.s32 $0x2000;
	s16 =	simm.s32 $0x0;
	s18 =	simm.s32 $0x0;
	(v2sf) =	vpush v1, $0x6  }
.LBB2_2:
0x1f: {  	p0 =	sne.s32 s17, $0x3E000  }
0x20: {  	s29 =	sadd.s32 $0x480, s16;
	s22 =	sadd.s32 $0x980, s16;
	s19 =	smov.u32 s17  }
0x21: {  	s17 =	sadd.s32 $0x2000, s17;
	s25 =	sadd.s32 $0x780, s16;
	s20 =	sadd.s32 $0xA00, s16;
	(v2sf) =	vpush v1, $0x7  }
0x22: {  	s28 =	sadd.s32 $0x680, s16;
	s24 =	sadd.s32 $0x800, s16;
	s21 =	sadd.s32 $0xA80, s16  }
0x23: {  	s30 =	sadd.s32 $0x400, s16;
	s31 =	sadd.s32 $0x600, s16;
	(v2sf) =	vpush v1, $0x8  }
0x24: {  	s0 =	sadd.s32 $0x700, s16;
	s18 =	sadd.s32 $0x10, s18  }
0x25: {  	s1 =	sadd.s32 $0x500, s16;
	s23 =	sadd.s32 $0x900, s16;
	s26 =	spop (v2sf);
	(v2sf) =	vpush v1, $0x9  }
0x26: {  	s9 =	sand.u32 $0x1FFFFFF0, s26;
	s26 =	sadd.s32 $0x880, s16;
	s12 =	spop (v2sf)  }
0x27: {  	s9 =	sadd.s32 s4, s9;
	s12 =	sand.u32 $0x1FFFFFF0, s12;
	s3 =	spop (v2sf);
	(v2sf) =	vpush v1, $0xA  }
0x28: {  	[tilespmem:s30], [sflag:$0x1] =	stream.linear.gather [hbm4b:s9+s2], $0x80, $0x38;
	[tilespmem:$0x10480] =	vst v63  }
0x29: {  	s9 =	sadd.s32 s4, s12;
	s12 =	sadd.s32 $0x580, s16;
	s30 =	spop (v2sf);
	(v2sf) =	vpush v1, $0xB  }
0x2a: {  	[tilespmem:s29], [sflag:$0x1] =	stream.linear.gather [hbm4b:s9+s2], $0x80, $0x38;
	[tilespmem:$0x10480] =	vst v63  }
0x2b: {  	s3 =	sand.u32 $0x1FFFFFF0, s3;
	s9 =	sand.u32 $0x1FFFFFF0, s30;
	s29 =	spop (v2sf);
	(v2sf) =	vpush v1, $0xC  }
0x2c: {  	s3 =	sadd.s32 s4, s3;
	s29 =	sand.u32 $0x1FFFFFF0, s29;
	s30 =	spop (v2sf)  }
0x2d: {  	[tilespmem:s1], [sflag:$0x1] =	stream.linear.gather [hbm4b:s3+s2], $0x80, $0x38;
	(v2sf) =	vpush v1, $0xD;
	[tilespmem:$0x10480] =	vst v63  }
0x2e: {  	s1 =	sadd.s32 s4, s29;
	s3 =	sand.u32 $0x1FFFFFF0, s30;
	s29 =	spop (v2sf)  }
0x2f: {  	[tilespmem:s12], [sflag:$0x1] =	stream.linear.gather [hbm4b:s1+s2], $0x80, $0x38;
	(v2sf) =	vpush v1, $0xE;
	[tilespmem:$0x10480] =	vst v63  }
0x30: {  	s1 =	sadd.s32 s4, s9;
	s9 =	sand.u32 $0x1FFFFFF0, s29;
	s12 =	spop (v2sf)  }
0x31: {  	[tilespmem:s31], [sflag:$0x1] =	stream.linear.gather [hbm4b:s1+s2], $0x80, $0x38;
	(v2sf) =	vpush v1, $0xF;
	[tilespmem:$0x10480] =	vst v63  }
0x32: {  	s1 =	sadd.s32 s4, s3;
	s3 =	sand.u32 $0x1FFFFFF0, s12;
	s12 =	spop (v2sf)  }
0x33: {  	[tilespmem:s28], [sflag:$0x1] =	stream.linear.gather [hbm4b:s1+s2], $0x80, $0x38;
	[tilespmem:$0x10480] =	vst v63  }
0x34: {  	s1 =	sadd.s32 s4, s9;
	s9 =	sand.u32 $0x1FFFFFF0, s12;
	s12 =	spop (v2sf)  }
0x35: {  	[tilespmem:s0], [sflag:$0x1] =	stream.linear.gather [hbm4b:s1+s2], $0x80, $0x38;
	[tilespmem:$0x10480] =	vst v63  }
0x36: {  	s0 =	sadd.s32 s4, s3;
	s1 =	sand.u32 $0x1FFFFFF0, s12;
	s3 =	spop (v2sf)  }
0x37: {  	[tilespmem:s25], [sflag:$0x1] =	stream.linear.gather [hbm4b:s0+s2], $0x80, $0x38;
	[tilespmem:$0x10480] =	vst v63  }
0x38: {  	s0 =	sadd.s32 s4, s9;
	s3 =	sand.u32 $0x1FFFFFF0, s3;
	s9 =	spop (v2sf)  }
0x39: {  	[tilespmem:s24], [sflag:$0x1] =	stream.linear.gather [hbm4b:s0+s2], $0x80, $0x38;
	[tilespmem:$0x10480] =	vst v63  }
0x3a: {  	s0 =	sadd.s32 s4, s1;
	s1 =	sand.u32 $0x1FFFFFF0, s9;
	s9 =	spop (v2sf)  }
0x3b: {  	[tilespmem:s26], [sflag:$0x1] =	stream.linear.gather [hbm4b:s0+s2], $0x80, $0x38;
	[tilespmem:$0x10480] =	vst v63  }
0x3c: {  	s0 =	sadd.s32 s4, s3;
	s3 =	sand.u32 $0x1FFFFFF0, s9;
	s9 =	spop (v2sf)  }
0x3d: {  	[tilespmem:s23], [sflag:$0x1] =	stream.linear.gather [hbm4b:s0+s2], $0x80, $0x38;
	[tilespmem:$0x10480] =	vst v63  }
0x3e: {  	s0 =	sadd.s32 s4, s1;
	s1 =	sand.u32 $0x1FFFFFF0, s9;
	s9 =	spop (v2sf)  }
0x3f: {  	[tilespmem:s22], [sflag:$0x1] =	stream.linear.gather [hbm4b:s0+s2], $0x80, $0x38;
	[tilespmem:$0x10480] =	vst v63  }
0x40: {  	s0 =	sadd.s32 s4, s3;
	s3 =	sand.u32 $0x1FFFFFF0, s9;
	s9 =	spop (v2sf)  }
0x41: {  	[tilespmem:s20], [sflag:$0x1] =	stream.linear.gather [hbm4b:s0+s2], $0x80, $0x38;
	[tilespmem:$0x10480] =	vst v63  }
0x42: {  	s0 =	sadd.s32 s4, s1;
	s1 =	sand.u32 $0x1FFFFFF0, s9  }
0x43: {  	[tilespmem:s21], [sflag:$0x1] =	stream.linear.gather [hbm4b:s0+s2], $0x80, $0x38;
	[tilespmem:$0x10480] =	vst v63  }
0x44: {  	s3 =	sadd.s32 s4, s3;
	s0 =	sadd.s32 $0xB00, s16  }
0x45: {  	[tilespmem:s0], [sflag:$0x1] =	stream.linear.gather [hbm4b:s3+s2], $0x80, $0x38;
	[tilespmem:$0x10480] =	vst v63  }
0x46: {  	s1 =	sadd.s32 s4, s1;
	s0 =	sadd.s32 $0xB80, s16  }
0x47: {  	[tilespmem:s0], [sflag:$0x1] =	stream.linear.gather [hbm4b:s1+s2], $0x80, $0x38;
	[tilespmem:$0x10480] =	vst v63  }
0x48: {  	v1 =	vld [tilespmem:s18+$0x0];
	_ =	sdelay $0x4  }
0x49: {  	v1 =	vshll.u32 v1, $0x4  }
0x4a: {  	(v2sf) =	vpush v1, $0x0  }
0x4b: {  	(v2sf) =	vpush v1, $0x1  }
0x4c: {  	(v2sf) =	vpush v1, $0x2;
	_ =	sdelay $0x1  }
0x4d: {  	(v2sf) =	vpush v1, $0x4  }
.Ltmp0:
0x4e: {  	(pc) =	sbr.rel @p0 .LBB2_2-.Ltmp0, $3  }
0x4f: {  	(v2sf) =	vpush v1, $0x3  }
0x50: {  	(v2sf) =	vpush v1, $0x5;
	_ =	sdelay $0x1  }
0x51: {  	s16 =	sshra.s32 s19, $0x2;
	(v2sf) =	vpush v1, $0x6  }
0x52: {  	_ =	sdelay $0x1  }
0x53: {  	s0 =	sadd.s32 $0x480, s16;
	s19 =	sadd.s32 $0x980, s16  }
0x54: {  	s1 =	sadd.s32 $0x780, s16;
	s17 =	sadd.s32 $0xA00, s16;
	(v2sf) =	vpush v1, $0x7;
	s3 =	sadd.s32 $0x680, s16  }
0x55: {  	s9 =	sadd.s32 $0x800, s16;
	s18 =	sadd.s32 $0xA80, s16;
	s12 =	sadd.s32 $0x400, s16  }
0x56: {  	s20 =	sadd.s32 $0x600, s16;
	s21 =	sadd.s32 $0x700, s16;
	(v2sf) =	vpush v1, $0x8;
	s22 =	spop (v2sf)  }
0x57: {  	s23 =	sadd.s32 $0x500, s16;
	s22 =	sand.u32 $0x1FFFFFF0, s22;
	s24 =	spop (v2sf)  }
0x58: {  	(v2sf) =	vpush v1, $0x9;
	s22 =	sadd.s32 s4, s22;
	s24 =	sand.u32 $0x1FFFFFF0, s24;
	s25 =	spop (v2sf)  }
0x59: {  	[tilespmem:s12], [sflag:$0x1] =	stream.linear.gather [hbm4b:s22+s2], $0x80, $0x38;
	[tilespmem:$0x10480] =	vst v63  }
0x5a: {  	(v2sf) =	vpush v1, $0xA;
	s26 =	sadd.s32 s4, s24;
	s29 =	sand.u32 $0x1FFFFFF0, s25;
	s28 =	spop (v2sf)  }
0x5b: {  	[tilespmem:s0], [sflag:$0x1] =	stream.linear.gather [hbm4b:s26+s2], $0x80, $0x38;
	[tilespmem:$0x10480] =	vst v63  }
0x5c: {  	s12 =	sadd.s32 $0x900, s16;
	(v2sf) =	vpush v1, $0xB;
	s22 =	sadd.s32 s4, s29;
	s30 =	spop (v2sf)  }
0x5d: {  	s0 =	sadd.s32 $0x880, s16;
	s26 =	sadd.s32 $0x580, s16;
	s25 =	sand.u32 $0x1FFFFFF0, s30  }
0x5e: {  	(v2sf) =	vpush v1, $0xC;
	[tilespmem:s23], [sflag:$0x1] =	stream.linear.gather [hbm4b:s22+s2], $0x80, $0x38;
	[tilespmem:$0x10480] =	vst v63  }
0x5f: {  	s31 =	sand.u32 $0x1FFFFFF0, s28;
	s28 =	spop (v2sf);
	s29 =	sadd.s32 s4, s25  }
0x60: {  	(v2sf) =	vpush v1, $0xD;
	[tilespmem:s26], [sflag:$0x1] =	stream.linear.gather [hbm4b:s29+s2], $0x80, $0x38;
	[tilespmem:$0x10480] =	vst v63  }
0x61: {  	s22 =	sadd.s32 s4, s31;
	s23 =	sand.u32 $0x1FFFFFF0, s28;
	s30 =	spop (v2sf)  }
0x62: {  	(v2sf) =	vpush v1, $0xE;
	[tilespmem:s20], [sflag:$0x1] =	stream.linear.gather [hbm4b:s22+s2], $0x80, $0x38;
	[tilespmem:$0x10480] =	vst v63  }
0x63: {  	s23 =	sadd.s32 s4, s23;
	s31 =	sand.u32 $0x1FFFFFF0, s30;
	s24 =	spop (v2sf)  }
0x64: {  	(v2sf) =	vpush v1, $0xF;
	[tilespmem:s3], [sflag:$0x1] =	stream.linear.gather [hbm4b:s23+s2], $0x80, $0x38;
	[tilespmem:$0x10480] =	vst v63  }
0x65: {  	s25 =	sand.u32 $0x1FFFFFF0, s24;
	s26 =	spop (v2sf);
	s20 =	sadd.s32 s4, s31  }
0x66: {  	[tilespmem:s21], [sflag:$0x1] =	stream.linear.gather [hbm4b:s20+s2], $0x80, $0x38;
	[tilespmem:$0x10480] =	vst v63  }
0x67: {  	s28 =	sand.u32 $0x1FFFFFF0, s26;
	s3 =	sadd.s32 s4, s25;
	s29 =	spop (v2sf)  }
0x68: {  	[tilespmem:s1], [sflag:$0x1] =	stream.linear.gather [hbm4b:s3+s2], $0x80, $0x38;
	[tilespmem:$0x10480] =	vst v63  }
0x69: {  	s20 =	sadd.s32 s4, s28;
	s30 =	sand.u32 $0x1FFFFFF0, s29;
	s31 =	spop (v2sf)  }
0x6a: {  	[tilespmem:s9], [sflag:$0x1] =	stream.linear.gather [hbm4b:s20+s2], $0x80, $0x38;
	[tilespmem:$0x10480] =	vst v63  }
0x6b: {  	s3 =	sand.u32 $0x1FFFFFF0, s31;
	s1 =	sadd.s32 s4, s30;
	s20 =	spop (v2sf)  }
0x6c: {  	[tilespmem:s0], [sflag:$0x1] =	stream.linear.gather [hbm4b:s1+s2], $0x80, $0x38;
	[tilespmem:$0x10480] =	vst v63  }
0x6d: {  	s3 =	sadd.s32 s4, s3;
	s21 =	sand.u32 $0x1FFFFFF0, s20;
	s22 =	spop (v2sf)  }
0x6e: {  	[tilespmem:s12], [sflag:$0x1] =	stream.linear.gather [hbm4b:s3+s2], $0x80, $0x38;
	[tilespmem:$0x10480] =	vst v63  }
0x6f: {  	s0 =	sadd.s32 s4, s21;
	s1 =	sand.u32 $0x1FFFFFF0, s22;
	s23 =	spop (v2sf)  }
0x70: {  	[tilespmem:s19], [sflag:$0x1] =	stream.linear.gather [hbm4b:s0+s2], $0x80, $0x38;
	[tilespmem:$0x10480] =	vst v63  }
0x71: {  	s24 =	sand.u32 $0x1FFFFFF0, s23;
	s1 =	sadd.s32 s4, s1;
	s25 =	spop (v2sf)  }
0x72: {  	[tilespmem:s17], [sflag:$0x1] =	stream.linear.gather [hbm4b:s1+s2], $0x80, $0x38;
	[tilespmem:$0x10480] =	vst v63  }
0x73: {  	s26 =	sand.u32 $0x1FFFFFF0, s25;
	s28 =	spop (v2sf);
	s0 =	sadd.s32 s4, s24  }
0x74: {  	[tilespmem:s18], [sflag:$0x1] =	stream.linear.gather [hbm4b:s0+s2], $0x80, $0x38;
	[tilespmem:$0x10480] =	vst v63  }
0x75: {  	s30 =	sadd.s32 $0xB00, s16;
	s29 =	sand.u32 $0x1FFFFFF0, s28;
	s1 =	sadd.s32 s4, s26  }
0x76: {  	[tilespmem:s30], [sflag:$0x1] =	stream.linear.gather [hbm4b:s1+s2], $0x80, $0x38;
	[tilespmem:$0x10480] =	vst v63  }
0x77: {  	s31 =	sadd.s32 $0xB80, s16;
	s0 =	sadd.s32 s4, s29  }
0x78: {  	[tilespmem:s31], [sflag:$0x1] =	stream.linear.gather [hbm4b:s0+s2], $0x80, $0x38;
	[tilespmem:$0x10480] =	vst v63  }
0x79: {  	_ =	swait.ge [sflag:s13], $0x10000  }
0x7a: {  	[sflag:s13] =	ssyncset.done $0x0  }
0x7b: {  	s16 =	simm.s32 $0x0;
	[sflag:s13] =	ssyncadd.s32 $0xFFFF0000  }
0x7c: {  	v1 =	vld [tilespmem:s16+$0x400]  }
0x7d: {  	v3 =	vld [tilespmem:s16+$0x410]  }
0x7e: {  	s17 =	simm.s32 $0x200;
	v2 =	vld [tilespmem:s16+$0x420]  }
.LBB2_4:
0x7f: {  	p0 =	sne.s32 s17, $0x3FE00;
	v4 =	vld [tilespmem:s16+$0x430];
	_ =	sdelay $0x1  }
0x80: {  	v1 =	vmul.f32 v1, v0  }
.Ltmp1:
0x81: {  	v3 =	vmul.f32 v3, v0;
	(pc) =	sbr.rel @p0 .LBB2_4-.Ltmp1, $4  }
0x82: {  	s0 =	sshra.s32 s17, $0x2;
	[tilespmem:s16+$0x400] =	vst v1;
	v2 =	vmul.f32 v2, v0  }
0x83: {  	v1 =	vld [tilespmem:s0+$0x400];
	[tilespmem:s16+$0x410] =	vst v3;
	v4 =	vmul.f32 v4, v0  }
0x84: {  	v3 =	vld [tilespmem:s0+$0x410];
	[tilespmem:s16+$0x420] =	vst v2  }
0x85: {  	s17 =	sadd.s32 $0x200, s17;
	v2 =	vld [tilespmem:s0+$0x420];
	[tilespmem:s16+$0x430] =	vst v4;
	s16 =	smov.u32 s0  }
0x86: {  	v4 =	vld [tilespmem:s16+$0x430];
	_ =	sdelay $0x1  }
0x87: {  	v1 =	vmul.f32 v1, v0  }
0x88: {  	v3 =	vmul.f32 v3, v0  }
0x89: {  	[tilespmem:s16+$0x400] =	vst v1;
	v1 =	vmul.f32 v2, v0  }
0x8a: {  	[tilespmem:s16+$0x410] =	vst v3;
	v2 =	vmul.f32 v4, v0  }
0x8b: {  	[tilespmem:s16+$0x420] =	vst v1  }
0x8c: {  	[tilespmem:s16+$0x430] =	vst v2;
	s16 =	simm.s32 $0x0  }
0x8d: {  	[hbm4b:s6+s16] =	stream.linear.scatter [tilespmem:s10], [sflag:$0x2], $0x10000, $0x38;
	[tilespmem:$0x10480] =	vst v63  }
0x8e: {  	_ =	swait.ge [sflag:s14], $0x10000  }
0x8f: {  	[sflag:s14] =	ssyncset.done $0x0  }
0x90: {  	s0 =	sand.u32 $0x1F0, s16;
	[sflag:s14] =	ssyncadd.s32 $0xFFFF0000  }
0x91: {  	v1 =	vld [tilespmem:s0+$0x200];
	_ =	sdelay $0x4  }
0x92: {  	v1 =	vshll.u32 v1, $0x4  }
0x93: {  	(v2sf) =	vpush v1, $0x0  }
0x94: {  	(v2sf) =	vpush v1, $0x2  }
0x95: {  	(v2sf) =	vpush v1, $0x1;
	_ =	sdelay $0x1  }
0x96: {  	(v2sf) =	vpush v1, $0x3  }
0x97: {  	(v2sf) =	vpush v1, $0x4;
	_ =	sdelay $0x2  }
0x98: {  	s17 =	simm.s32 $0x2000;
	s18 =	simm.s32 $0x10  }
.LBB2_6:
0x99: {  	p0 =	sne.s32 s17, $0x3E000;
	(v2sf) =	vpush v1, $0x5;
	s0 =	smov.u32 s17;
	s17 =	sadd.s32 $0x2000, s17  }
0x9a: {  	s19 =	sshra.s32 s16, $0x2;
	s16 =	smov.u32 s0  }
0x9b: {  	s0 =	sadd.s32 $0x480, s19;
	(v2sf) =	vpush v1, $0x6  }
0x9c: {  	s1 =	sadd.s32 $0x400, s19  }
0x9d: {  	s22 =	sadd.s32 $0x980, s19;
	s21 =	sadd.s32 $0xA00, s19;
	s20 =	sadd.s32 $0xA80, s19;
	(v2sf) =	vpush v1, $0x7  }
0x9e: {  	s25 =	sadd.s32 $0x800, s19;
	s24 =	sadd.s32 $0x880, s19;
	s23 =	sadd.s32 $0x900, s19  }
0x9f: {  	s3 =	sadd.s32 $0x700, s19;
	s26 =	sadd.s32 $0x780, s19;
	s9 =	spop (v2sf);
	(v2sf) =	vpush v1, $0x8  }
0xa0: {  	s12 =	sadd.s32 $0x500, s19;
	s9 =	sand.u32 $0x1FFFFFF0, s9;
	s28 =	spop (v2sf)  }
0xa1: {  	s29 =	sadd.s32 $0x680, s19;
	s9 =	sadd.s32 s4, s9;
	s30 =	spop (v2sf);
	(v2sf) =	vpush v1, $0x9  }
0xa2: {  	[tilespmem:s1], [sflag:$0x1] =	stream.linear.gather [hbm4b:s9+s2], $0x80, $0x38;
	[tilespmem:$0x10480] =	vst v63  }
0xa3: {  	s1 =	sand.u32 $0x1FFFFFF0, s30;
	s9 =	sand.u32 $0x1FFFFFF0, s28;
	s28 =	spop (v2sf);
	(v2sf) =	vpush v1, $0xA  }
0xa4: {  	s30 =	sadd.s32 $0x600, s19;
	s1 =	sadd.s32 s4, s1;
	s31 =	spop (v2sf)  }
0xa5: {  	[tilespmem:s0], [sflag:$0x1] =	stream.linear.gather [hbm4b:s1+s2], $0x80, $0x38;
	(v2sf) =	vpush v1, $0xB;
	[tilespmem:$0x10480] =	vst v63  }
0xa6: {  	s0 =	sadd.s32 s4, s9;
	s1 =	sand.u32 $0x1FFFFFF0, s28;
	s9 =	sand.u32 $0x1FFFFFF0, s31  }
0xa7: {  	[tilespmem:s12], [sflag:$0x1] =	stream.linear.gather [hbm4b:s0+s2], $0x80, $0x38;
	(v2sf) =	vpush v1, $0xC;
	[tilespmem:$0x10480] =	vst v63  }
0xa8: {  	s1 =	sadd.s32 s4, s1;
	s0 =	sadd.s32 $0x580, s19;
	s12 =	spop (v2sf)  }
0xa9: {  	[tilespmem:s0], [sflag:$0x1] =	stream.linear.gather [hbm4b:s1+s2], $0x80, $0x38;
	(v2sf) =	vpush v1, $0xD;
	[tilespmem:$0x10480] =	vst v63  }
0xaa: {  	s0 =	sadd.s32 s4, s9;
	s1 =	sand.u32 $0x1FFFFFF0, s12;
	s9 =	spop (v2sf)  }
0xab: {  	[tilespmem:s30], [sflag:$0x1] =	stream.linear.gather [hbm4b:s0+s2], $0x80, $0x38;
	(v2sf) =	vpush v1, $0xE;
	[tilespmem:$0x10480] =	vst v63  }
0xac: {  	s0 =	sadd.s32 s4, s1;
	s1 =	sand.u32 $0x1FFFFFF0, s9;
	s9 =	spop (v2sf)  }
0xad: {  	[tilespmem:s29], [sflag:$0x1] =	stream.linear.gather [hbm4b:s0+s2], $0x80, $0x38;
	(v2sf) =	vpush v1, $0xF;
	[tilespmem:$0x10480] =	vst v63  }
0xae: {  	s0 =	sadd.s32 s4, s1;
	s1 =	sand.u32 $0x1FFFFFF0, s9;
	s9 =	spop (v2sf)  }
0xaf: {  	[tilespmem:s3], [sflag:$0x1] =	stream.linear.gather [hbm4b:s0+s2], $0x80, $0x38;
	[tilespmem:$0x10480] =	vst v63  }
0xb0: {  	s0 =	sadd.s32 s4, s1;
	s1 =	sand.u32 $0x1FFFFFF0, s9;
	s3 =	spop (v2sf)  }
0xb1: {  	[tilespmem:s26], [sflag:$0x1] =	stream.linear.gather [hbm4b:s0+s2], $0x80, $0x38;
	[tilespmem:$0x10480] =	vst v63  }
0xb2: {  	s0 =	sadd.s32 s4, s1;
	s1 =	sand.u32 $0x1FFFFFF0, s3;
	s3 =	spop (v2sf)  }
0xb3: {  	[tilespmem:s25], [sflag:$0x1] =	stream.linear.gather [hbm4b:s0+s2], $0x80, $0x38;
	[tilespmem:$0x10480] =	vst v63  }
0xb4: {  	s0 =	sadd.s32 s4, s1;
	s1 =	sand.u32 $0x1FFFFFF0, s3;
	s3 =	spop (v2sf)  }
0xb5: {  	[tilespmem:s24], [sflag:$0x1] =	stream.linear.gather [hbm4b:s0+s2], $0x80, $0x38;
	[tilespmem:$0x10480] =	vst v63  }
0xb6: {  	s0 =	sadd.s32 s4, s1;
	s1 =	sand.u32 $0x1FFFFFF0, s3;
	s3 =	spop (v2sf)  }
0xb7: {  	[tilespmem:s23], [sflag:$0x1] =	stream.linear.gather [hbm4b:s0+s2], $0x80, $0x38;
	[tilespmem:$0x10480] =	vst v63  }
0xb8: {  	s0 =	sadd.s32 s4, s1;
	s1 =	sand.u32 $0x1FFFFFF0, s3;
	s3 =	spop (v2sf)  }
0xb9: {  	[tilespmem:s22], [sflag:$0x1] =	stream.linear.gather [hbm4b:s0+s2], $0x80, $0x38;
	[tilespmem:$0x10480] =	vst v63  }
0xba: {  	s0 =	sadd.s32 s4, s1;
	s1 =	sand.u32 $0x1FFFFFF0, s3;
	s3 =	spop (v2sf)  }
0xbb: {  	[tilespmem:s21], [sflag:$0x1] =	stream.linear.gather [hbm4b:s0+s2], $0x80, $0x38;
	[tilespmem:$0x10480] =	vst v63  }
0xbc: {  	s0 =	sadd.s32 s4, s1;
	s1 =	sand.u32 $0x1FFFFFF0, s3;
	s3 =	spop (v2sf)  }
0xbd: {  	[tilespmem:s20], [sflag:$0x1] =	stream.linear.gather [hbm4b:s0+s2], $0x80, $0x38;
	[tilespmem:$0x10480] =	vst v63  }
0xbe: {  	s1 =	sadd.s32 s4, s1;
	s0 =	sadd.s32 $0xB00, s19;
	s3 =	sand.u32 $0x1FFFFFF0, s3  }
0xbf: {  	[tilespmem:s0], [sflag:$0x1] =	stream.linear.gather [hbm4b:s1+s2], $0x80, $0x38;
	[tilespmem:$0x10480] =	vst v63  }
0xc0: {  	s3 =	sadd.s32 s4, s3;
	s0 =	sand.u32 $0x1F0, s18;
	s1 =	sadd.s32 $0xB80, s19  }
0xc1: {  	[tilespmem:s1], [sflag:$0x1] =	stream.linear.gather [hbm4b:s3+s2], $0x80, $0x38;
	[tilespmem:$0x10480] =	vst v63  }
0xc2: {  	v1 =	vld [tilespmem:s0+$0x200];
	_ =	sdelay $0x4  }
0xc3: {  	v1 =	vshll.u32 v1, $0x4  }
0xc4: {  	(v2sf) =	vpush v1, $0x0  }
0xc5: {  	(v2sf) =	vpush v1, $0x2  }
0xc6: {  	(v2sf) =	vpush v1, $0x1;
	_ =	sdelay $0x1  }
.Ltmp2:
0xc7: {  	(v2sf) =	vpush v1, $0x3;
	(pc) =	sbr.rel @p0 .LBB2_6-.Ltmp2, $2  }
0xc8: {  	(v2sf) =	vpush v1, $0x4;
	_ =	sdelay $0x2  }
0xc9: {  	s18 =	sadd.s32 $0x10, s18  }
0xca: {  	(v2sf) =	vpush v1, $0x5;
	_ =	sdelay $0x1  }
0xcb: {  	s16 =	sshra.s32 s16, $0x2;
	(v2sf) =	vpush v1, $0x6  }
0xcc: {  	s0 =	sadd.s32 $0x480, s16;
	s1 =	sadd.s32 $0x400, s16  }
0xcd: {  	s19 =	sadd.s32 $0x980, s16;
	s18 =	sadd.s32 $0xA00, s16;
	s17 =	sadd.s32 $0xA80, s16;
	(v2sf) =	vpush v1, $0x7  }
0xce: {  	s3 =	sadd.s32 $0x800, s16;
	s9 =	sadd.s32 $0x880, s16;
	s12 =	sadd.s32 $0x900, s16  }
0xcf: {  	s20 =	sadd.s32 $0x700, s16;
	s21 =	sadd.s32 $0x780, s16;
	s22 =	spop (v2sf);
	(v2sf) =	vpush v1, $0x8  }
0xd0: {  	s23 =	sadd.s32 $0x500, s16;
	s22 =	sand.u32 $0x1FFFFFF0, s22;
	s24 =	spop (v2sf)  }
0xd1: {  	s25 =	sadd.s32 $0x680, s16;
	s22 =	sadd.s32 s4, s22;
	s26 =	spop (v2sf);
	(v2sf) =	vpush v1, $0x9  }
0xd2: {  	[tilespmem:s1], [sflag:$0x1] =	stream.linear.gather [hbm4b:s22+s2], $0x80, $0x38;
	[tilespmem:$0x10480] =	vst v63  }
0xd3: {  	s30 =	sand.u32 $0x1FFFFFF0, s24;
	s29 =	sand.u32 $0x1FFFFFF0, s26;
	s31 =	spop (v2sf);
	(v2sf) =	vpush v1, $0xA  }
0xd4: {  	s26 =	sadd.s32 $0x600, s16;
	s1 =	sadd.s32 s4, s29;
	s28 =	spop (v2sf)  }
0xd5: {  	[tilespmem:s0], [sflag:$0x1] =	stream.linear.gather [hbm4b:s1+s2], $0x80, $0x38;
	(v2sf) =	vpush v1, $0xB;
	[tilespmem:$0x10480] =	vst v63  }
0xd6: {  	s22 =	sadd.s32 s4, s30;
	s30 =	sadd.s32 $0x580, s16;
	s24 =	sand.u32 $0x1FFFFFF0, s31  }
0xd7: {  	(v2sf) =	vpush v1, $0xC;
	[tilespmem:s23], [sflag:$0x1] =	stream.linear.gather [hbm4b:s22+s2], $0x80, $0x38;
	[tilespmem:$0x10480] =	vst v63  }
0xd8: {  	s29 =	sand.u32 $0x1FFFFFF0, s28;
	s1 =	sadd.s32 s4, s24;
	s31 =	spop (v2sf)  }
0xd9: {  	[tilespmem:s30], [sflag:$0x1] =	stream.linear.gather [hbm4b:s1+s2], $0x80, $0x38;
	(v2sf) =	vpush v1, $0xD;
	[tilespmem:$0x10480] =	vst v63  }
0xda: {  	s1 =	sadd.s32 s4, s29;
	s22 =	sand.u32 $0x1FFFFFF0, s31;
	s23 =	spop (v2sf)  }
0xdb: {  	(v2sf) =	vpush v1, $0xE;
	[tilespmem:s26], [sflag:$0x1] =	stream.linear.gather [hbm4b:s1+s2], $0x80, $0x38;
	[tilespmem:$0x10480] =	vst v63  }
0xdc: {  	s24 =	sadd.s32 s4, s22;
	s26 =	sand.u32 $0x1FFFFFF0, s23;
	s28 =	spop (v2sf)  }
0xdd: {  	(v2sf) =	vpush v1, $0xF;
	[tilespmem:s25], [sflag:$0x1] =	stream.linear.gather [hbm4b:s24+s2], $0x80, $0x38;
	[tilespmem:$0x10480] =	vst v63  }
0xde: {  	s29 =	sadd.s32 s4, s26;
	s30 =	sand.u32 $0x1FFFFFF0, s28;
	s31 =	spop (v2sf)  }
0xdf: {  	[tilespmem:s20], [sflag:$0x1] =	stream.linear.gather [hbm4b:s29+s2], $0x80, $0x38;
	[tilespmem:$0x10480] =	vst v63  }
0xe0: {  	s20 =	sadd.s32 s4, s30;
	s23 =	sand.u32 $0x1FFFFFF0, s31;
	s24 =	spop (v2sf)  }
0xe1: {  	[tilespmem:s21], [sflag:$0x1] =	stream.linear.gather [hbm4b:s20+s2], $0x80, $0x38;
	[tilespmem:$0x10480] =	vst v63  }
0xe2: {  	s25 =	sadd.s32 s4, s23;
	s26 =	sand.u32 $0x1FFFFFF0, s24;
	s28 =	spop (v2sf)  }
0xe3: {  	[tilespmem:s3], [sflag:$0x1] =	stream.linear.gather [hbm4b:s25+s2], $0x80, $0x38;
	[tilespmem:$0x10480] =	vst v63  }
0xe4: {  	s29 =	sadd.s32 s4, s26;
	s30 =	sand.u32 $0x1FFFFFF0, s28;
	s31 =	spop (v2sf)  }
0xe5: {  	[tilespmem:s9], [sflag:$0x1] =	stream.linear.gather [hbm4b:s29+s2], $0x80, $0x38;
	[tilespmem:$0x10480] =	vst v63  }
0xe6: {  	s1 =	sadd.s32 s4, s30;
	s3 =	sand.u32 $0x1FFFFFF0, s31;
	s9 =	spop (v2sf)  }
0xe7: {  	[tilespmem:s12], [sflag:$0x1] =	stream.linear.gather [hbm4b:s1+s2], $0x80, $0x38;
	[tilespmem:$0x10480] =	vst v63  }
0xe8: {  	s20 =	sand.u32 $0x1FFFFFF0, s9;
	s12 =	sadd.s32 s4, s3;
	s21 =	spop (v2sf)  }
0xe9: {  	[tilespmem:s19], [sflag:$0x1] =	stream.linear.gather [hbm4b:s12+s2], $0x80, $0x38;
	[tilespmem:$0x10480] =	vst v63  }
0xea: {  	s22 =	sadd.s32 s4, s20;
	s23 =	sand.u32 $0x1FFFFFF0, s21;
	s24 =	spop (v2sf)  }
0xeb: {  	[tilespmem:s18], [sflag:$0x1] =	stream.linear.gather [hbm4b:s22+s2], $0x80, $0x38;
	[tilespmem:$0x10480] =	vst v63  }
0xec: {  	s25 =	sadd.s32 s4, s23;
	s26 =	sand.u32 $0x1FFFFFF0, s24;
	s28 =	spop (v2sf)  }
0xed: {  	[tilespmem:s17], [sflag:$0x1] =	stream.linear.gather [hbm4b:s25+s2], $0x80, $0x38;
	[tilespmem:$0x10480] =	vst v63  }
0xee: {  	s29 =	sadd.s32 $0xB00, s16;
	s1 =	sadd.s32 s4, s26;
	s3 =	sand.u32 $0x1FFFFFF0, s28  }
0xef: {  	[tilespmem:s29], [sflag:$0x1] =	stream.linear.gather [hbm4b:s1+s2], $0x80, $0x38;
	[tilespmem:$0x10480] =	vst v63  }
0xf0: {  	s30 =	sadd.s32 $0xB80, s16;
	s31 =	sadd.s32 s4, s3  }
0xf1: {  	[tilespmem:s30], [sflag:$0x1] =	stream.linear.gather [hbm4b:s31+s2], $0x80, $0x38;
	[tilespmem:$0x10480] =	vst v63  }
0xf2: {  	_ =	swait.ge [sflag:s13], $0x10000  }
0xf3: {  	[sflag:s13] =	ssyncset.done $0x0  }
0xf4: {  	s16 =	simm.s32 $0x0;
	[sflag:s13] =	ssyncadd.s32 $0xFFFF0000  }
0xf5: {  	v1 =	vld [tilespmem:s16+$0x400]  }
0xf6: {  	v3 =	vld [tilespmem:s16+$0x410]  }
0xf7: {  	s17 =	simm.s32 $0x200;
	v2 =	vld [tilespmem:s16+$0x420]  }
.LBB2_8:
0xf8: {  	p0 =	sne.s32 s17, $0x3FE00;
	v4 =	vld [tilespmem:s16+$0x430];
	_ =	sdelay $0x1  }
0xf9: {  	v1 =	vmul.f32 v1, v0  }
.Ltmp3:
0xfa: {  	v3 =	vmul.f32 v3, v0;
	(pc) =	sbr.rel @p0 .LBB2_8-.Ltmp3, $4  }
0xfb: {  	s0 =	sshra.s32 s17, $0x2;
	[tilespmem:s16+$0x400] =	vst v1;
	v2 =	vmul.f32 v2, v0  }
0xfc: {  	v1 =	vld [tilespmem:s0+$0x400];
	[tilespmem:s16+$0x410] =	vst v3;
	v4 =	vmul.f32 v4, v0  }
0xfd: {  	v3 =	vld [tilespmem:s0+$0x410];
	[tilespmem:s16+$0x420] =	vst v2  }
0xfe: {  	s17 =	sadd.s32 $0x200, s17;
	v2 =	vld [tilespmem:s0+$0x420];
	[tilespmem:s16+$0x430] =	vst v4;
	s16 =	smov.u32 s0  }
0xff: {  	v4 =	vld [tilespmem:s16+$0x430];
	_ =	sdelay $0x1  }
0x100: {  	v1 =	vmul.f32 v1, v0  }
0x101: {  	v3 =	vmul.f32 v3, v0  }
0x102: {  	[tilespmem:s16+$0x400] =	vst v1;
	v62 =	vmul.f32 v2, v0  }
0x103: {  	s15 =	sadd.s32 $0x1, s15;
	[tilespmem:s16+$0x410] =	vst v3;
	v63 =	vmul.f32 v4, v0  }
0x104: {  	p0 =	sne.s32 s15, s8;
	[tilespmem:s16+$0x420] =	vst v62  }
.Ltmp4:
0x105: {  	[tilespmem:s16+$0x430] =	vst v63;
	(pc) =	sbr.rel @p0 .LBB2_1-.Ltmp4, $4  }
0x106: {  	[hbm4b:s7+s2] =	stream.linear.scatter [tilespmem:s10], [sflag:$0x2], $0x10000, $0x38;
	[tilespmem:$0x10480] =	vst v63  }
0x107: {  	_ =	swait.ge [sflag:s14], $0x10000  }
0x108: {  	[sflag:s14] =	ssyncset.done $0x0  }
0x109: {  	[sflag:s14] =	ssyncadd.s32 $0xFFFF0000  }
0x10a: {  	_ =	sfence.sel $0x180000  }
0x10b: {  	[bflag:$0x0] =	sbarrier.arrive $0xFFFF  }
0x10c: {  	_ =	strace $0x90000047  }
0x10d: {  	s0 =	stileid.u32;
	[bflag:$0x2] =	sbarrier.arrive $0xFFFF  }
0x10e: {  	p0 =	sne.s32 s0, $0x0;
	s0 =	rddreg [dreg:$0x2]  }
0x10f: {  	s0 =	sadd.s32 @!p0 $0x100000, s0  }
0x110: {  	[sflag:s0] =	ssyncadd.tile.s32 @!p0 $0x1;
	_ =	shalt  }
.Lfunc_end2:
_tile_overlayer_lowered:
.L_overlay_start_2:
0x111: {  	(tag) =	ssettag $0x2  }
0x112: {  	s0 =	rddreg [dreg:$0x0];
	s2 =	stileid.u32  }
0x113: {  	s1 =	rddreg [dreg:$0x1];
	p0 =	sne.s32 s2, $0x0  }
0x114: {  	s3 =	rddreg [dreg:$0x2];
	[bflag:$0x3] =	sbarrier.arrive $0xFFFF;
	s2 =	simm.s32 @!p0 $0x1C03  }
0x115: {  	[timem:s3], [sflag:s2] =	dma.local @!p0 [hbm:s0], s1  }
0x116: {  	s0 =	simm.s32 @!p0 $0x3  }
0x117: {  	_ =	swait.ge @!p0 [sflag:s0], s1  }
0x118: {  	s1 =	ssub.s32 @!p0 $0x0, s1;
	[sflag:s0] =	ssyncset.done @!p0 $0x0  }
0x119: {  	[sflag:s0] =	ssyncadd.s32 @!p0 s1  }
0x11a: {  	[bflag:$0x3] =	sbarrier.arrive $0xFFFF  }
0x11b: {  	_ =	shalt  }

</sc_bundles>
